<compile_context>
chip_gen: v7x
topology: tpu7x:2x2x1
jax: 0.10.2.dev20260603
libtpu: 0.0.44.dev20260713+nightly
codegen_flags: <defaults>
</compile_context>

<pallas_src>
import functools

import jax
import jax.numpy as jnp
from jax import lax
from jax.experimental import pallas as pl
from jax.experimental.pallas import tpu as pltpu
from jax.experimental.pallas import tpu_sc as plsc

N = 10000
D = 128
E = 320000

NP = 10240
NW = 32
CHUNK = 128
NCHUNK = 80
EPAD = NW * NCHUNK * CHUNK
RPT = NP // 16
SLAB = 40
NSLAB = NCHUNK // SLAB



def _deg_body(dstp_hbm, ones_hbm, zros_hbm, out_hbm, idx_v, ones_v, sem, acc_sh):
    c = lax.axis_index("c")
    s = lax.axis_index("s")
    wid = c * 16 + s
    pltpu.sync_copy(ones_hbm, ones_v)
    pltpu.sync_copy(zros_hbm.at[pl.ds(s * RPT, RPT)], acc_sh.at[pl.ds(s * RPT, RPT)])
    plsc.subcore_barrier()

    for t in range(NSLAB):
        pltpu.sync_copy(dstp_hbm.at[wid * NSLAB + t], idx_v)

        def body(j, carry):
            pltpu.sync_copy(ones_v, acc_sh.at[idx_v.at[j]], add=True)
            return carry

        lax.fori_loop(0, SLAB, body, 0)
    plsc.subcore_barrier()
    pltpu.sync_copy(
        acc_sh.at[pl.ds(s * RPT, RPT)],
        out_hbm.at[pl.ds(c * NP + s * RPT, RPT)],
    )


def _agg_body(xs_hbm, srcp_hbm, dstp_hbm, zros_hbm, out_hbm,
              src_v, dst_v, rows0, rows1, sem0, sem1, ssem0, ssem1, acc_sh):
    c = lax.axis_index("c")
    s = lax.axis_index("s")
    wid = c * 16 + s
    pltpu.sync_copy(zros_hbm.at[pl.ds(s * RPT, RPT)], acc_sh.at[pl.ds(s * RPT, RPT)])
    plsc.subcore_barrier()

    for t in range(NSLAB):
        pltpu.sync_copy(srcp_hbm.at[wid * NSLAB + t], src_v)
        pltpu.sync_copy(dstp_hbm.at[wid * NSLAB + t], dst_v)
        pltpu.async_copy(xs_hbm.at[src_v.at[0]], rows0, sem0)
        pltpu.async_copy(xs_hbm.at[src_v.at[1]], rows1, sem1)

        def body(g, carry):
            j = 2 * g
            pltpu.make_async_copy(xs_hbm.at[src_v.at[j]], rows0, sem0).wait()
            pltpu.async_copy(rows0, acc_sh.at[dst_v.at[j]], ssem0, add=True)
            pltpu.make_async_copy(xs_hbm.at[src_v.at[j + 1]], rows1, sem1).wait()
            pltpu.async_copy(rows1, acc_sh.at[dst_v.at[j + 1]], ssem1, add=True)
            pltpu.make_async_copy(rows0, acc_sh.at[dst_v.at[j]], ssem0).wait()
            pltpu.async_copy(xs_hbm.at[src_v.at[j + 2]], rows0, sem0)
            pltpu.make_async_copy(rows1, acc_sh.at[dst_v.at[j + 1]], ssem1).wait()
            pltpu.async_copy(xs_hbm.at[src_v.at[j + 3]], rows1, sem1)
            return carry

        lax.fori_loop(0, SLAB // 2 - 1, body, 0)
        j = SLAB - 2
        pltpu.make_async_copy(xs_hbm.at[src_v.at[j]], rows0, sem0).wait()
        pltpu.async_copy(rows0, acc_sh.at[dst_v.at[j]], ssem0, add=True)
        pltpu.make_async_copy(xs_hbm.at[src_v.at[j + 1]], rows1, sem1).wait()
        pltpu.async_copy(rows1, acc_sh.at[dst_v.at[j + 1]], ssem1, add=True)
        pltpu.make_async_copy(rows0, acc_sh.at[dst_v.at[j]], ssem0).wait()
        pltpu.make_async_copy(rows1, acc_sh.at[dst_v.at[j + 1]], ssem1).wait()
    plsc.subcore_barrier()
    pltpu.sync_copy(
        acc_sh.at[pl.ds(s * RPT, RPT)],
        out_hbm.at[pl.ds(c * NP + s * RPT, RPT)],
    )


def _tc1_body(deg_ref, x_ref, xs_ref):
    deg = deg_ref[0:N, 0:1] + deg_ref[NP:NP + N, 0:1] + 1.0
    dinv = lax.rsqrt(deg)
    xs_ref[0:N, :] = x_ref[...] * dinv
    xs_ref[N:NP, :] = jnp.zeros((NP - N, D), jnp.float32)


def _tc2_body(acc_ref, deg_ref, x_ref, w_ref, b_ref, h_ref, xs_ref):
    deg = deg_ref[0:N, 0:1] + deg_ref[NP:NP + N, 0:1] + 1.0
    dinv = lax.rsqrt(deg)
    aggs = acc_ref[0:N, :] + acc_ref[NP:NP + N, :]
    agg = dinv * aggs + (dinv * dinv) * x_ref[...]
    out = jnp.dot(agg, w_ref[...], preferred_element_type=jnp.float32) + b_ref[...]
    h = jnp.maximum(out, 0.0)
    h_ref[...] = h
    xs_ref[0:N, :] = h * dinv
    xs_ref[N:NP, :] = jnp.zeros((NP - N, D), jnp.float32)


def _tc3_body(acc_ref, deg_ref, h_ref, w_ref, b_ref, out_ref):
    deg = deg_ref[0:N, 0:1] + deg_ref[NP:NP + N, 0:1] + 1.0
    dinv = lax.rsqrt(deg)
    aggs = acc_ref[0:N, :] + acc_ref[NP:NP + N, :]
    agg = dinv * aggs + (dinv * dinv) * h_ref[...]
    o = jnp.dot(agg, w_ref[...], preferred_element_type=jnp.float32) + b_ref[...]
    m = jnp.max(o, axis=-1, keepdims=True)
    u = o - m
    lse = jnp.log(jnp.sum(jnp.exp(u), axis=-1, keepdims=True))
    out_ref[...] = u - lse


_DEG_SCRATCH = [
    pltpu.VMEM((SLAB, CHUNK), jnp.int32),
    pltpu.VMEM((CHUNK, D), jnp.float32),
    pltpu.SemaphoreType.DMA,
    pltpu.VMEM_SHARED((NP, D), jnp.float32),
]
_AGG_SCRATCH = [
    pltpu.VMEM((SLAB, CHUNK), jnp.int32),
    pltpu.VMEM((SLAB, CHUNK), jnp.int32),
    pltpu.VMEM((CHUNK, D), jnp.float32),
    pltpu.VMEM((CHUNK, D), jnp.float32),
    pltpu.SemaphoreType.DMA,
    pltpu.SemaphoreType.DMA,
    pltpu.SemaphoreType.DMA,
    pltpu.SemaphoreType.DMA,
    pltpu.VMEM_SHARED((NP, D), jnp.float32),
]


@functools.cache
def _sc_kernels():
    mesh = plsc.VectorSubcoreMesh(core_axis_name="c", subcore_axis_name="s")
    deg_k = pl.kernel(
        _deg_body,
        out_type=jax.ShapeDtypeStruct((2 * NP, D), jnp.float32),
        mesh=mesh,
        scratch_types=_DEG_SCRATCH,
    )
    agg_k = pl.kernel(
        _agg_body,
        out_type=jax.ShapeDtypeStruct((2 * NP, D), jnp.float32),
        mesh=mesh,
        scratch_types=_AGG_SCRATCH,
    )
    return deg_k, agg_k

_tc1 = pl.pallas_call(
    _tc1_body, out_shape=jax.ShapeDtypeStruct((NP, D), jnp.float32))
_tc2 = pl.pallas_call(
    _tc2_body,
    out_shape=(jax.ShapeDtypeStruct((N, D), jnp.float32),
               jax.ShapeDtypeStruct((NP, D), jnp.float32)))
_tc3 = pl.pallas_call(
    _tc3_body, out_shape=jax.ShapeDtypeStruct((N, D), jnp.float32))


def kernel(x, edge_index, W1, b1, W2, b2):
    src = edge_index[0]
    dst = edge_index[1]
    pad = jnp.full((EPAD - E,), N, dtype=jnp.int32)
    srcp = jnp.concatenate([src, pad]).reshape(NW * NSLAB, SLAB, CHUNK)
    dstp = jnp.concatenate([dst, pad]).reshape(NW * NSLAB, SLAB, CHUNK)

    onesw = jnp.ones((CHUNK, D), jnp.float32)
    zbig = jnp.zeros((NP, D), jnp.float32)
    b1r = b1.reshape(1, D)
    b2r = b2.reshape(1, D)

    deg_kernel, agg_kernel = _sc_kernels()
    deg = deg_kernel(dstp, onesw, zbig)
    xs1 = _tc1(deg, x)
    acc1 = agg_kernel(xs1, srcp, dstp, zbig)
    h, xs2 = _tc2(acc1, deg, x, W1, b1r)
    acc2 = agg_kernel(xs2, srcp, dstp, zbig)
    return _tc3(acc2, deg, h, W2, b2r)

# --- scband reference (transcript-rebuilt; emitter-appended) ---
"""Pipeline reference for scband-net-377957122204 (READ-ONLY COPY).

The authoritative reference and input builder live on the scoring server;
editing this copy changes nothing except your own understanding.
"""

import jax, jax.numpy as jnp
import numpy as np

N = 10000
E = 320000
D = 128


def setup_inputs(seed: int = 0) -> dict:
    key = jax.random.key(seed)
    k1, k2, k3, k4, k5, k6 = jax.random.split(key, 6)
    x = jax.random.normal(k1, (N, D), dtype=jnp.float32)
    edge_index = jax.random.randint(k2, (2, E), 0, N, dtype=jnp.int32)
    s = 1.0 / np.sqrt(D)
    W1 = jax.random.uniform(k3, (D, D), dtype=jnp.float32, minval=-s, maxval=s)
    b1 = jax.random.uniform(k4, (D,), dtype=jnp.float32, minval=-s, maxval=s)
    W2 = jax.random.uniform(k5, (D, D), dtype=jnp.float32, minval=-s, maxval=s)
    b2 = jax.random.uniform(k6, (D,), dtype=jnp.float32, minval=-s, maxval=s)
    return {"x": x, "edge_index": edge_index, "W1": W1, "b1": b1, "W2": W2, "b2": b2}


def _gcn_conv(x, edge_index, W, b):
    # GCNConv: add self loops, symmetric deg^{-1/2} normalization, scatter-add aggregation, linear transform
    n = x.shape[0]
    src = edge_index[0]
    dst = edge_index[1]
    loop = jnp.arange(n, dtype=src.dtype)
    src = jnp.concatenate([src, loop], axis=0)
    dst = jnp.concatenate([dst, loop], axis=0)
    deg = jnp.zeros((n,), dtype=x.dtype).at[dst].add(1.0)
    dinv = jnp.where(deg > 0, deg ** -0.5, 0.0)
    norm = dinv[src] * dinv[dst]
    msg = x[src] * norm[:, None]
    agg = jnp.zeros_like(x).at[dst].add(msg)
    return agg @ W + b


def reference(x, edge_index, W1, b1, W2, b2):
    h = jax.nn.relu(_gcn_conv(x, edge_index, W1, b1))
    out = _gcn_conv(h, edge_index, W2, b2)
    return jax.nn.log_softmax(out, axis=-1)

if __name__ == "__main__":
    import jax
    _d = setup_inputs()
    print(jax.jit(kernel)(*tuple(_d.values())))

</pallas_src>

<mosaic_0001>
#map = affine_map<(d0, d1) -> (0, 0, 0)>
#map1 = affine_map<(d0, d1) -> (0, 0)>
module attributes {stable_mosaic.version = 14 : i64} {
  func.func @_deg_body(%arg0: i32, %arg1: i32, %arg2: memref<64x40x128xi32, #tpu.memory_space<hbm>>, %arg3: memref<128x128xf32, #tpu.memory_space<hbm>>, %arg4: memref<10240x128xf32, #tpu.memory_space<hbm>>, %arg5: memref<20480x128xf32, #tpu.memory_space<hbm>>, %arg6: memref<40x128xi32, #tpu.memory_space<vmem>>, %arg7: memref<128x128xf32, #tpu.memory_space<vmem>>, %arg8: memref<!tpu.dma_semaphore, #tpu.memory_space<semaphore_mem>>, %arg9: memref<10240x128xf32, #tpu.memory_space<vmem_shared>>) attributes {dimension_semantics = [#tpu.dimension_semantics<core_parallel>, #tpu.dimension_semantics<subcore_parallel>], iteration_bounds = array<i64: 2, 16>, scalar_prefetch = 0 : i64, scratch_operands = 4 : i64, tpu.core_type = #tpu.core_type<sc_vector_subcore>, window_params = [{transform_indices = #map}, {transform_indices = #map1}, {transform_indices = #map1}, {transform_indices = #map1}]} {
    %mul3A = arith.constant 16 : i32
    %mul3A_0 = arith.muli %arg0, %mul3A : i32
    %add3A = arith.addi %mul3A_0, %arg1 : i32
    "tpu.region"() ({
      %run_scoped3A = tpu.sem_alloc : memref<!tpu.dma_semaphore, #tpu.memory_space<semaphore_mem>>
      tpu.enqueue_dma source(%arg3 : memref<128x128xf32, #tpu.memory_space<hbm>>) target(%arg7 : memref<128x128xf32, #tpu.memory_space<vmem>>) target_semaphore(%run_scoped3A : memref<!tpu.dma_semaphore, #tpu.memory_space<semaphore_mem>>)
      tpu.wait_dma2 semaphore(%run_scoped3A : memref<!tpu.dma_semaphore, #tpu.memory_space<semaphore_mem>>) src(%arg3 : memref<128x128xf32, #tpu.memory_space<hbm>>) dst(%arg7 : memref<128x128xf32, #tpu.memory_space<vmem>>)
      tpu.yield
    }) : () -> ()
    %mul3A_1 = arith.constant 640 : i32
    %mul3A_2 = arith.muli %arg1, %mul3A_1 : i32
    %mul3A_3 = arith.constant 640 : i32
    %mul3A_4 = arith.muli %arg1, %mul3A_3 : i32
    "tpu.region"() ({
      %run_scoped3A = tpu.sem_alloc : memref<!tpu.dma_semaphore, #tpu.memory_space<semaphore_mem>>
      %dma_start3A = arith.constant 0 : i32
      %dma_start3A_32 = tpu.memref_slice %arg9[%mul3A_4, %dma_start3A] : memref<10240x128xf32, #tpu.memory_space<vmem_shared>> -> memref<640x128xf32, #tpu.memory_space<vmem_shared>>
      %dma_start3A_33 = arith.constant 0 : i32
      %dma_start3A_34 = tpu.memref_slice %arg4[%mul3A_2, %dma_start3A_33] : memref<10240x128xf32, #tpu.memory_space<hbm>> -> memref<640x128xf32, #tpu.memory_space<hbm>>
      tpu.enqueue_dma source(%dma_start3A_34 : memref<640x128xf32, #tpu.memory_space<hbm>>) target(%dma_start3A_32 : memref<640x128xf32, #tpu.memory_space<vmem_shared>>) target_semaphore(%run_scoped3A : memref<!tpu.dma_semaphore, #tpu.memory_space<semaphore_mem>>)
      %dma_wait3A = arith.constant 0 : i32
      %dma_wait3A_35 = tpu.memref_slice %arg9[%mul3A_4, %dma_wait3A] : memref<10240x128xf32, #tpu.memory_space<vmem_shared>> -> memref<640x128xf32, #tpu.memory_space<vmem_shared>>
      %dma_wait3A_36 = arith.constant 0 : i32
      %dma_wait3A_37 = tpu.memref_slice %arg4[%mul3A_2, %dma_wait3A_36] : memref<10240x128xf32, #tpu.memory_space<hbm>> -> memref<640x128xf32, #tpu.memory_space<hbm>>
      tpu.wait_dma2 semaphore(%run_scoped3A : memref<!tpu.dma_semaphore, #tpu.memory_space<semaphore_mem>>) src(%dma_wait3A_37 : memref<640x128xf32, #tpu.memory_space<hbm>>) dst(%dma_wait3A_35 : memref<640x128xf32, #tpu.memory_space<vmem_shared>>)
      tpu.yield
    }) : () -> ()
    %barrier3A = arith.constant 0 : index
    tpu.barrier barrier_id(%barrier3A)
    %mul3A_5 = arith.constant 2 : i32
    %mul3A_6 = arith.muli %add3A, %mul3A_5 : i32
    %add3A_7 = arith.constant 0 : i32
    %add3A_8 = arith.addi %mul3A_6, %add3A_7 : i32
    "tpu.region"() ({
      %run_scoped3A = tpu.sem_alloc : memref<!tpu.dma_semaphore, #tpu.memory_space<semaphore_mem>>
      %dma_start3A = arith.constant 0 : i32
      %dma_start3A_32 = arith.constant 0 : i32
      %dma_start3A_33 = tpu.memref_slice %arg2[%add3A_8, %dma_start3A, %dma_start3A_32] : memref<64x40x128xi32, #tpu.memory_space<hbm>> -> memref<1x40x128xi32, #tpu.memory_space<hbm>>
      %dma_start3A_34 = tpu.memref_squeeze %dma_start3A_33 : memref<1x40x128xi32, #tpu.memory_space<hbm>> -> memref<40x128xi32, #tpu.memory_space<hbm>>
      %dma_start3A_35 = arith.constant 0 : i32
      %dma_start3A_36 = arith.constant 0 : i32
      %dma_start3A_37 = tpu.memref_slice %arg2[%add3A_8, %dma_start3A_35, %dma_start3A_36] : memref<64x40x128xi32, #tpu.memory_space<hbm>> -> memref<1x40x128xi32, #tpu.memory_space<hbm>>
      %dma_start3A_38 = tpu.memref_squeeze %dma_start3A_37 : memref<1x40x128xi32, #tpu.memory_space<hbm>> -> memref<40x128xi32, #tpu.memory_space<hbm>>
      tpu.enqueue_dma source(%dma_start3A_38 : memref<40x128xi32, #tpu.memory_space<hbm>>) target(%arg6 : memref<40x128xi32, #tpu.memory_space<vmem>>) target_semaphore(%run_scoped3A : memref<!tpu.dma_semaphore, #tpu.memory_space<semaphore_mem>>)
      %dma_wait3A = arith.constant 0 : i32
      %dma_wait3A_39 = arith.constant 0 : i32
      %dma_wait3A_40 = tpu.memref_slice %arg2[%add3A_8, %dma_wait3A, %dma_wait3A_39] : memref<64x40x128xi32, #tpu.memory_space<hbm>> -> memref<1x40x128xi32, #tpu.memory_space<hbm>>
      %dma_wait3A_41 = tpu.memref_squeeze %dma_wait3A_40 : memref<1x40x128xi32, #tpu.memory_space<hbm>> -> memref<40x128xi32, #tpu.memory_space<hbm>>
      %dma_wait3A_42 = arith.constant 0 : i32
      %dma_wait3A_43 = arith.constant 0 : i32
      %dma_wait3A_44 = tpu.memref_slice %arg2[%add3A_8, %dma_wait3A_42, %dma_wait3A_43] : memref<64x40x128xi32, #tpu.memory_space<hbm>> -> memref<1x40x128xi32, #tpu.memory_space<hbm>>
      %dma_wait3A_45 = tpu.memref_squeeze %dma_wait3A_44 : memref<1x40x128xi32, #tpu.memory_space<hbm>> -> memref<40x128xi32, #tpu.memory_space<hbm>>
      tpu.wait_dma2 semaphore(%run_scoped3A : memref<!tpu.dma_semaphore, #tpu.memory_space<semaphore_mem>>) src(%dma_wait3A_45 : memref<40x128xi32, #tpu.memory_space<hbm>>) dst(%arg6 : memref<40x128xi32, #tpu.memory_space<vmem>>)
      tpu.yield
    }) : () -> ()
    %scan3A = arith.constant 0 : i32
    %scan3A_9 = arith.constant 0 : i32
    %scan3A_10 = arith.constant 40 : i32
    %scan3A_11 = arith.addi %scan3A_9, %scan3A_10 : i32
    %scan3A_12 = arith.constant 1 : i32
    scf.for %scan3A_32 = %scan3A_9 to %scan3A_11 step %scan3A_12  : i32 {
      "tpu.region"() ({
        %run_scoped3A = tpu.sem_alloc : memref<!tpu.dma_semaphore, #tpu.memory_space<semaphore_mem>>
        %dma_start3A = arith.constant 0 : i32
        %dma_start3A_33 = tpu.memref_slice %arg6[%scan3A_32, %dma_start3A] : memref<40x128xi32, #tpu.memory_space<vmem>> -> memref<1x128xi32, #tpu.memory_space<vmem>>
        %dma_start3A_34 = tpu.memref_squeeze %dma_start3A_33 : memref<1x128xi32, #tpu.memory_space<vmem>> -> memref<128xi32, #tpu.memory_space<vmem>>
        %dma_start3A_35 = arith.constant 0 : i32
        %dma_start3A_36 = arith.constant 0 : i32
        %dma_start3A_37 = tpu.memref_slice %arg9[%dma_start3A_35, %dma_start3A_36] : memref<10240x128xf32, #tpu.memory_space<vmem_shared>> -> memref<10240x128xf32, #tpu.memory_space<vmem_shared>>
        tpu.enqueue_indirect_dma source(%arg7 : memref<128x128xf32, #tpu.memory_space<vmem>>) target(%dma_start3A_37 : memref<10240x128xf32, #tpu.memory_space<vmem_shared>>) offsets(%dma_start3A_34 : memref<128xi32, #tpu.memory_space<vmem>>) semaphore(%run_scoped3A : memref<!tpu.dma_semaphore, #tpu.memory_space<semaphore_mem>>) {add = true}
        %dma_wait3A = arith.constant 0 : i32
        %dma_wait3A_38 = tpu.memref_slice %arg6[%scan3A_32, %dma_wait3A] : memref<40x128xi32, #tpu.memory_space<vmem>> -> memref<1x128xi32, #tpu.memory_space<vmem>>
        %dma_wait3A_39 = tpu.memref_squeeze %dma_wait3A_38 : memref<1x128xi32, #tpu.memory_space<vmem>> -> memref<128xi32, #tpu.memory_space<vmem>>
        %dma_wait3A_40 = arith.constant 0 : i32
        %dma_wait3A_41 = arith.constant 0 : i32
        %dma_wait3A_42 = tpu.memref_slice %arg9[%dma_wait3A_40, %dma_wait3A_41] : memref<10240x128xf32, #tpu.memory_space<vmem_shared>> -> memref<10240x128xf32, #tpu.memory_space<vmem_shared>>
        tpu.wait_indirect_dma semaphore(%run_scoped3A : memref<!tpu.dma_semaphore, #tpu.memory_space<semaphore_mem>>) src(%arg7 : memref<128x128xf32, #tpu.memory_space<vmem>>) dst(%dma_wait3A_42 : memref<10240x128xf32, #tpu.memory_space<vmem_shared>>)
        tpu.yield
      }) : () -> ()
    }
    %scan3A_13 = arith.constant 40 : i32
    %mul3A_14 = arith.constant 2 : i32
    %mul3A_15 = arith.muli %add3A, %mul3A_14 : i32
    %add3A_16 = arith.constant 1 : i32
    %add3A_17 = arith.addi %mul3A_15, %add3A_16 : i32
    "tpu.region"() ({
      %run_scoped3A = tpu.sem_alloc : memref<!tpu.dma_semaphore, #tpu.memory_space<semaphore_mem>>
      %dma_start3A = arith.constant 0 : i32
      %dma_start3A_32 = arith.constant 0 : i32
      %dma_start3A_33 = tpu.memref_slice %arg2[%add3A_17, %dma_start3A, %dma_start3A_32] : memref<64x40x128xi32, #tpu.memory_space<hbm>> -> memref<1x40x128xi32, #tpu.memory_space<hbm>>
      %dma_start3A_34 = tpu.memref_squeeze %dma_start3A_33 : memref<1x40x128xi32, #tpu.memory_space<hbm>> -> memref<40x128xi32, #tpu.memory_space<hbm>>
      %dma_start3A_35 = arith.constant 0 : i32
      %dma_start3A_36 = arith.constant 0 : i32
      %dma_start3A_37 = tpu.memref_slice %arg2[%add3A_17, %dma_start3A_35, %dma_start3A_36] : memref<64x40x128xi32, #tpu.memory_space<hbm>> -> memref<1x40x128xi32, #tpu.memory_space<hbm>>
      %dma_start3A_38 = tpu.memref_squeeze %dma_start3A_37 : memref<1x40x128xi32, #tpu.memory_space<hbm>> -> memref<40x128xi32, #tpu.memory_space<hbm>>
      tpu.enqueue_dma source(%dma_start3A_38 : memref<40x128xi32, #tpu.memory_space<hbm>>) target(%arg6 : memref<40x128xi32, #tpu.memory_space<vmem>>) target_semaphore(%run_scoped3A : memref<!tpu.dma_semaphore, #tpu.memory_space<semaphore_mem>>)
      %dma_wait3A = arith.constant 0 : i32
      %dma_wait3A_39 = arith.constant 0 : i32
      %dma_wait3A_40 = tpu.memref_slice %arg2[%add3A_17, %dma_wait3A, %dma_wait3A_39] : memref<64x40x128xi32, #tpu.memory_space<hbm>> -> memref<1x40x128xi32, #tpu.memory_space<hbm>>
      %dma_wait3A_41 = tpu.memref_squeeze %dma_wait3A_40 : memref<1x40x128xi32, #tpu.memory_space<hbm>> -> memref<40x128xi32, #tpu.memory_space<hbm>>
      %dma_wait3A_42 = arith.constant 0 : i32
      %dma_wait3A_43 = arith.constant 0 : i32
      %dma_wait3A_44 = tpu.memref_slice %arg2[%add3A_17, %dma_wait3A_42, %dma_wait3A_43] : memref<64x40x128xi32, #tpu.memory_space<hbm>> -> memref<1x40x128xi32, #tpu.memory_space<hbm>>
      %dma_wait3A_45 = tpu.memref_squeeze %dma_wait3A_44 : memref<1x40x128xi32, #tpu.memory_space<hbm>> -> memref<40x128xi32, #tpu.memory_space<hbm>>
      tpu.wait_dma2 semaphore(%run_scoped3A : memref<!tpu.dma_semaphore, #tpu.memory_space<semaphore_mem>>) src(%dma_wait3A_45 : memref<40x128xi32, #tpu.memory_space<hbm>>) dst(%arg6 : memref<40x128xi32, #tpu.memory_space<vmem>>)
      tpu.yield
    }) : () -> ()
    %scan3A_18 = arith.constant 0 : i32
    %scan3A_19 = arith.constant 0 : i32
    %scan3A_20 = arith.constant 40 : i32
    %scan3A_21 = arith.addi %scan3A_19, %scan3A_20 : i32
    %scan3A_22 = arith.constant 1 : i32
    scf.for %scan3A_32 = %scan3A_19 to %scan3A_21 step %scan3A_22  : i32 {
      "tpu.region"() ({
        %run_scoped3A = tpu.sem_alloc : memref<!tpu.dma_semaphore, #tpu.memory_space<semaphore_mem>>
        %dma_start3A = arith.constant 0 : i32
        %dma_start3A_33 = tpu.memref_slice %arg6[%scan3A_32, %dma_start3A] : memref<40x128xi32, #tpu.memory_space<vmem>> -> memref<1x128xi32, #tpu.memory_space<vmem>>
        %dma_start3A_34 = tpu.memref_squeeze %dma_start3A_33 : memref<1x128xi32, #tpu.memory_space<vmem>> -> memref<128xi32, #tpu.memory_space<vmem>>
        %dma_start3A_35 = arith.constant 0 : i32
        %dma_start3A_36 = arith.constant 0 : i32
        %dma_start3A_37 = tpu.memref_slice %arg9[%dma_start3A_35, %dma_start3A_36] : memref<10240x128xf32, #tpu.memory_space<vmem_shared>> -> memref<10240x128xf32, #tpu.memory_space<vmem_shared>>
        tpu.enqueue_indirect_dma source(%arg7 : memref<128x128xf32, #tpu.memory_space<vmem>>) target(%dma_start3A_37 : memref<10240x128xf32, #tpu.memory_space<vmem_shared>>) offsets(%dma_start3A_34 : memref<128xi32, #tpu.memory_space<vmem>>) semaphore(%run_scoped3A : memref<!tpu.dma_semaphore, #tpu.memory_space<semaphore_mem>>) {add = true}
        %dma_wait3A = arith.constant 0 : i32
        %dma_wait3A_38 = tpu.memref_slice %arg6[%scan3A_32, %dma_wait3A] : memref<40x128xi32, #tpu.memory_space<vmem>> -> memref<1x128xi32, #tpu.memory_space<vmem>>
        %dma_wait3A_39 = tpu.memref_squeeze %dma_wait3A_38 : memref<1x128xi32, #tpu.memory_space<vmem>> -> memref<128xi32, #tpu.memory_space<vmem>>
        %dma_wait3A_40 = arith.constant 0 : i32
        %dma_wait3A_41 = arith.constant 0 : i32
        %dma_wait3A_42 = tpu.memref_slice %arg9[%dma_wait3A_40, %dma_wait3A_41] : memref<10240x128xf32, #tpu.memory_space<vmem_shared>> -> memref<10240x128xf32, #tpu.memory_space<vmem_shared>>
        tpu.wait_indirect_dma semaphore(%run_scoped3A : memref<!tpu.dma_semaphore, #tpu.memory_space<semaphore_mem>>) src(%arg7 : memref<128x128xf32, #tpu.memory_space<vmem>>) dst(%dma_wait3A_42 : memref<10240x128xf32, #tpu.memory_space<vmem_shared>>)
        tpu.yield
      }) : () -> ()
    }
    %scan3A_23 = arith.constant 40 : i32
    %barrier3A_24 = arith.constant 0 : index
    tpu.barrier barrier_id(%barrier3A_24)
    %mul3A_25 = arith.constant 640 : i32
    %mul3A_26 = arith.muli %arg1, %mul3A_25 : i32
    %mul3A_27 = arith.constant 10240 : i32
    %mul3A_28 = arith.muli %arg0, %mul3A_27 : i32
    %mul3A_29 = arith.constant 640 : i32
    %mul3A_30 = arith.muli %arg1, %mul3A_29 : i32
    %add3A_31 = arith.addi %mul3A_28, %mul3A_30 : i32
    "tpu.region"() ({
      %run_scoped3A = tpu.sem_alloc : memref<!tpu.dma_semaphore, #tpu.memory_space<semaphore_mem>>
      %dma_start3A = arith.constant 0 : i32
      %dma_start3A_32 = tpu.memref_slice %arg5[%add3A_31, %dma_start3A] : memref<20480x128xf32, #tpu.memory_space<hbm>> -> memref<640x128xf32, #tpu.memory_space<hbm>>
      %dma_start3A_33 = arith.constant 0 : i32
      %dma_start3A_34 = tpu.memref_slice %arg9[%mul3A_26, %dma_start3A_33] : memref<10240x128xf32, #tpu.memory_space<vmem_shared>> -> memref<640x128xf32, #tpu.memory_space<vmem_shared>>
      tpu.enqueue_dma source(%dma_start3A_34 : memref<640x128xf32, #tpu.memory_space<vmem_shared>>) target(%dma_start3A_32 : memref<640x128xf32, #tpu.memory_space<hbm>>) target_semaphore(%run_scoped3A : memref<!tpu.dma_semaphore, #tpu.memory_space<semaphore_mem>>)
      %dma_wait3A = arith.constant 0 : i32
      %dma_wait3A_35 = tpu.memref_slice %arg5[%add3A_31, %dma_wait3A] : memref<20480x128xf32, #tpu.memory_space<hbm>> -> memref<640x128xf32, #tpu.memory_space<hbm>>
      %dma_wait3A_36 = arith.constant 0 : i32
      %dma_wait3A_37 = tpu.memref_slice %arg9[%mul3A_26, %dma_wait3A_36] : memref<10240x128xf32, #tpu.memory_space<vmem_shared>> -> memref<640x128xf32, #tpu.memory_space<vmem_shared>>
      tpu.wait_dma2 semaphore(%run_scoped3A : memref<!tpu.dma_semaphore, #tpu.memory_space<semaphore_mem>>) src(%dma_wait3A_37 : memref<640x128xf32, #tpu.memory_space<vmem_shared>>) dst(%dma_wait3A_35 : memref<640x128xf32, #tpu.memory_space<hbm>>)
      tpu.yield
    }) : () -> ()
    return
  }
}

#map = affine_map<(d0, d1) -> (0, 0)>
#map1 = affine_map<(d0, d1) -> (0, 0, 0)>
module attributes {stable_mosaic.version = 14 : i64} {
  func.func @_agg_body(%arg0: i32, %arg1: i32, %arg2: memref<10240x128xf32, #tpu.memory_space<hbm>>, %arg3: memref<64x40x128xi32, #tpu.memory_space<hbm>>, %arg4: memref<64x40x128xi32, #tpu.memory_space<hbm>>, %arg5: memref<10240x128xf32, #tpu.memory_space<hbm>>, %arg6: memref<20480x128xf32, #tpu.memory_space<hbm>>, %arg7: memref<40x128xi32, #tpu.memory_space<vmem>>, %arg8: memref<40x128xi32, #tpu.memory_space<vmem>>, %arg9: memref<128x128xf32, #tpu.memory_space<vmem>>, %arg10: memref<128x128xf32, #tpu.memory_space<vmem>>, %arg11: memref<!tpu.dma_semaphore, #tpu.memory_space<semaphore_mem>>, %arg12: memref<!tpu.dma_semaphore, #tpu.memory_space<semaphore_mem>>, %arg13: memref<!tpu.dma_semaphore, #tpu.memory_space<semaphore_mem>>, %arg14: memref<!tpu.dma_semaphore, #tpu.memory_space<semaphore_mem>>, %arg15: memref<10240x128xf32, #tpu.memory_space<vmem_shared>>) attributes {dimension_semantics = [#tpu.dimension_semantics<core_parallel>, #tpu.dimension_semantics<subcore_parallel>], iteration_bounds = array<i64: 2, 16>, scalar_prefetch = 0 : i64, scratch_operands = 9 : i64, tpu.core_type = #tpu.core_type<sc_vector_subcore>, window_params = [{transform_indices = #map}, {transform_indices = #map1}, {transform_indices = #map1}, {transform_indices = #map}, {transform_indices = #map}]} {
    %mul3A = arith.constant 16 : i32
    %mul3A_0 = arith.muli %arg0, %mul3A : i32
    %add3A = arith.addi %mul3A_0, %arg1 : i32
    %mul3A_1 = arith.constant 640 : i32
    %mul3A_2 = arith.muli %arg1, %mul3A_1 : i32
    %mul3A_3 = arith.constant 640 : i32
    %mul3A_4 = arith.muli %arg1, %mul3A_3 : i32
    "tpu.region"() ({
      %run_scoped3A = tpu.sem_alloc : memref<!tpu.dma_semaphore, #tpu.memory_space<semaphore_mem>>
      %dma_start3A_150 = arith.constant 0 : i32
      %dma_start3A_151 = tpu.memref_slice %arg15[%mul3A_4, %dma_start3A_150] : memref<10240x128xf32, #tpu.memory_space<vmem_shared>> -> memref<640x128xf32, #tpu.memory_space<vmem_shared>>
      %dma_start3A_152 = arith.constant 0 : i32
      %dma_start3A_153 = tpu.memref_slice %arg5[%mul3A_2, %dma_start3A_152] : memref<10240x128xf32, #tpu.memory_space<hbm>> -> memref<640x128xf32, #tpu.memory_space<hbm>>
      tpu.enqueue_dma source(%dma_start3A_153 : memref<640x128xf32, #tpu.memory_space<hbm>>) target(%dma_start3A_151 : memref<640x128xf32, #tpu.memory_space<vmem_shared>>) target_semaphore(%run_scoped3A : memref<!tpu.dma_semaphore, #tpu.memory_space<semaphore_mem>>)
      %dma_wait3A_154 = arith.constant 0 : i32
      %dma_wait3A_155 = tpu.memref_slice %arg15[%mul3A_4, %dma_wait3A_154] : memref<10240x128xf32, #tpu.memory_space<vmem_shared>> -> memref<640x128xf32, #tpu.memory_space<vmem_shared>>
      %dma_wait3A_156 = arith.constant 0 : i32
      %dma_wait3A_157 = tpu.memref_slice %arg5[%mul3A_2, %dma_wait3A_156] : memref<10240x128xf32, #tpu.memory_space<hbm>> -> memref<640x128xf32, #tpu.memory_space<hbm>>
      tpu.wait_dma2 semaphore(%run_scoped3A : memref<!tpu.dma_semaphore, #tpu.memory_space<semaphore_mem>>) src(%dma_wait3A_157 : memref<640x128xf32, #tpu.memory_space<hbm>>) dst(%dma_wait3A_155 : memref<640x128xf32, #tpu.memory_space<vmem_shared>>)
      tpu.yield
    }) : () -> ()
    %barrier3A = arith.constant 0 : index
    tpu.barrier barrier_id(%barrier3A)
    %mul3A_5 = arith.constant 2 : i32
    %mul3A_6 = arith.muli %add3A, %mul3A_5 : i32
    %add3A_7 = arith.constant 0 : i32
    %add3A_8 = arith.addi %mul3A_6, %add3A_7 : i32
    "tpu.region"() ({
      %run_scoped3A = tpu.sem_alloc : memref<!tpu.dma_semaphore, #tpu.memory_space<semaphore_mem>>
      %dma_start3A_150 = arith.constant 0 : i32
      %dma_start3A_151 = arith.constant 0 : i32
      %dma_start3A_152 = tpu.memref_slice %arg3[%add3A_8, %dma_start3A_150, %dma_start3A_151] : memref<64x40x128xi32, #tpu.memory_space<hbm>> -> memref<1x40x128xi32, #tpu.memory_space<hbm>>
      %dma_start3A_153 = tpu.memref_squeeze %dma_start3A_152 : memref<1x40x128xi32, #tpu.memory_space<hbm>> -> memref<40x128xi32, #tpu.memory_space<hbm>>
      %dma_start3A_154 = arith.constant 0 : i32
      %dma_start3A_155 = arith.constant 0 : i32
      %dma_start3A_156 = tpu.memref_slice %arg3[%add3A_8, %dma_start3A_154, %dma_start3A_155] : memref<64x40x128xi32, #tpu.memory_space<hbm>> -> memref<1x40x128xi32, #tpu.memory_space<hbm>>
      %dma_start3A_157 = tpu.memref_squeeze %dma_start3A_156 : memref<1x40x128xi32, #tpu.memory_space<hbm>> -> memref<40x128xi32, #tpu.memory_space<hbm>>
      tpu.enqueue_dma source(%dma_start3A_157 : memref<40x128xi32, #tpu.memory_space<hbm>>) target(%arg7 : memref<40x128xi32, #tpu.memory_space<vmem>>) target_semaphore(%run_scoped3A : memref<!tpu.dma_semaphore, #tpu.memory_space<semaphore_mem>>)
      %dma_wait3A_158 = arith.constant 0 : i32
      %dma_wait3A_159 = arith.constant 0 : i32
      %dma_wait3A_160 = tpu.memref_slice %arg3[%add3A_8, %dma_wait3A_158, %dma_wait3A_159] : memref<64x40x128xi32, #tpu.memory_space<hbm>> -> memref<1x40x128xi32, #tpu.memory_space<hbm>>
      %dma_wait3A_161 = tpu.memref_squeeze %dma_wait3A_160 : memref<1x40x128xi32, #tpu.memory_space<hbm>> -> memref<40x128xi32, #tpu.memory_space<hbm>>
      %dma_wait3A_162 = arith.constant 0 : i32
      %dma_wait3A_163 = arith.constant 0 : i32
      %dma_wait3A_164 = tpu.memref_slice %arg3[%add3A_8, %dma_wait3A_162, %dma_wait3A_163] : memref<64x40x128xi32, #tpu.memory_space<hbm>> -> memref<1x40x128xi32, #tpu.memory_space<hbm>>
      %dma_wait3A_165 = tpu.memref_squeeze %dma_wait3A_164 : memref<1x40x128xi32, #tpu.memory_space<hbm>> -> memref<40x128xi32, #tpu.memory_space<hbm>>
      tpu.wait_dma2 semaphore(%run_scoped3A : memref<!tpu.dma_semaphore, #tpu.memory_space<semaphore_mem>>) src(%dma_wait3A_165 : memref<40x128xi32, #tpu.memory_space<hbm>>) dst(%arg7 : memref<40x128xi32, #tpu.memory_space<vmem>>)
      tpu.yield
    }) : () -> ()
    %mul3A_9 = arith.constant 2 : i32
    %mul3A_10 = arith.muli %add3A, %mul3A_9 : i32
    %add3A_11 = arith.constant 0 : i32
    %add3A_12 = arith.addi %mul3A_10, %add3A_11 : i32
    "tpu.region"() ({
      %run_scoped3A = tpu.sem_alloc : memref<!tpu.dma_semaphore, #tpu.memory_space<semaphore_mem>>
      %dma_start3A_150 = arith.constant 0 : i32
      %dma_start3A_151 = arith.constant 0 : i32
      %dma_start3A_152 = tpu.memref_slice %arg4[%add3A_12, %dma_start3A_150, %dma_start3A_151] : memref<64x40x128xi32, #tpu.memory_space<hbm>> -> memref<1x40x128xi32, #tpu.memory_space<hbm>>
      %dma_start3A_153 = tpu.memref_squeeze %dma_start3A_152 : memref<1x40x128xi32, #tpu.memory_space<hbm>> -> memref<40x128xi32, #tpu.memory_space<hbm>>
      %dma_start3A_154 = arith.constant 0 : i32
      %dma_start3A_155 = arith.constant 0 : i32
      %dma_start3A_156 = tpu.memref_slice %arg4[%add3A_12, %dma_start3A_154, %dma_start3A_155] : memref<64x40x128xi32, #tpu.memory_space<hbm>> -> memref<1x40x128xi32, #tpu.memory_space<hbm>>
      %dma_start3A_157 = tpu.memref_squeeze %dma_start3A_156 : memref<1x40x128xi32, #tpu.memory_space<hbm>> -> memref<40x128xi32, #tpu.memory_space<hbm>>
      tpu.enqueue_dma source(%dma_start3A_157 : memref<40x128xi32, #tpu.memory_space<hbm>>) target(%arg8 : memref<40x128xi32, #tpu.memory_space<vmem>>) target_semaphore(%run_scoped3A : memref<!tpu.dma_semaphore, #tpu.memory_space<semaphore_mem>>)
      %dma_wait3A_158 = arith.constant 0 : i32
      %dma_wait3A_159 = arith.constant 0 : i32
      %dma_wait3A_160 = tpu.memref_slice %arg4[%add3A_12, %dma_wait3A_158, %dma_wait3A_159] : memref<64x40x128xi32, #tpu.memory_space<hbm>> -> memref<1x40x128xi32, #tpu.memory_space<hbm>>
      %dma_wait3A_161 = tpu.memref_squeeze %dma_wait3A_160 : memref<1x40x128xi32, #tpu.memory_space<hbm>> -> memref<40x128xi32, #tpu.memory_space<hbm>>
      %dma_wait3A_162 = arith.constant 0 : i32
      %dma_wait3A_163 = arith.constant 0 : i32
      %dma_wait3A_164 = tpu.memref_slice %arg4[%add3A_12, %dma_wait3A_162, %dma_wait3A_163] : memref<64x40x128xi32, #tpu.memory_space<hbm>> -> memref<1x40x128xi32, #tpu.memory_space<hbm>>
      %dma_wait3A_165 = tpu.memref_squeeze %dma_wait3A_164 : memref<1x40x128xi32, #tpu.memory_space<hbm>> -> memref<40x128xi32, #tpu.memory_space<hbm>>
      tpu.wait_dma2 semaphore(%run_scoped3A : memref<!tpu.dma_semaphore, #tpu.memory_space<semaphore_mem>>) src(%dma_wait3A_165 : memref<40x128xi32, #tpu.memory_space<hbm>>) dst(%arg8 : memref<40x128xi32, #tpu.memory_space<vmem>>)
      tpu.yield
    }) : () -> ()
    %dma_start3A = arith.constant 0 : i32
    %dma_start3A_13 = arith.constant 0 : i32
    %dma_start3A_14 = tpu.memref_slice %arg7[%dma_start3A, %dma_start3A_13] : memref<40x128xi32, #tpu.memory_space<vmem>> -> memref<1x128xi32, #tpu.memory_space<vmem>>
    %dma_start3A_15 = tpu.memref_squeeze %dma_start3A_14 : memref<1x128xi32, #tpu.memory_space<vmem>> -> memref<128xi32, #tpu.memory_space<vmem>>
    %dma_start3A_16 = arith.constant 0 : i32
    %dma_start3A_17 = arith.constant 0 : i32
    %dma_start3A_18 = tpu.memref_slice %arg2[%dma_start3A_16, %dma_start3A_17] : memref<10240x128xf32, #tpu.memory_space<hbm>> -> memref<10240x128xf32, #tpu.memory_space<hbm>>
    tpu.enqueue_indirect_dma source(%dma_start3A_18 : memref<10240x128xf32, #tpu.memory_space<hbm>>) target(%arg9 : memref<128x128xf32, #tpu.memory_space<vmem>>) offsets(%dma_start3A_15 : memref<128xi32, #tpu.memory_space<vmem>>) semaphore(%arg11 : memref<!tpu.dma_semaphore, #tpu.memory_space<semaphore_mem>>)
    %dma_start3A_19 = arith.constant 1 : i32
    %dma_start3A_20 = arith.constant 0 : i32
    %dma_start3A_21 = tpu.memref_slice %arg7[%dma_start3A_19, %dma_start3A_20] : memref<40x128xi32, #tpu.memory_space<vmem>> -> memref<1x128xi32, #tpu.memory_space<vmem>>
    %dma_start3A_22 = tpu.memref_squeeze %dma_start3A_21 : memref<1x128xi32, #tpu.memory_space<vmem>> -> memref<128xi32, #tpu.memory_space<vmem>>
    %dma_start3A_23 = arith.constant 0 : i32
    %dma_start3A_24 = arith.constant 0 : i32
    %dma_start3A_25 = tpu.memref_slice %arg2[%dma_start3A_23, %dma_start3A_24] : memref<10240x128xf32, #tpu.memory_space<hbm>> -> memref<10240x128xf32, #tpu.memory_space<hbm>>
    tpu.enqueue_indirect_dma source(%dma_start3A_25 : memref<10240x128xf32, #tpu.memory_space<hbm>>) target(%arg10 : memref<128x128xf32, #tpu.memory_space<vmem>>) offsets(%dma_start3A_22 : memref<128xi32, #tpu.memory_space<vmem>>) semaphore(%arg12 : memref<!tpu.dma_semaphore, #tpu.memory_space<semaphore_mem>>)
    %scan3A = arith.constant 0 : i32
    %scan3A_26 = arith.constant 0 : i32
    %scan3A_27 = arith.constant 19 : i32
    %scan3A_28 = arith.addi %scan3A_26, %scan3A_27 : i32
    %scan3A_29 = arith.constant 1 : i32
    scf.for %scan3A_150 = %scan3A_26 to %scan3A_28 step %scan3A_29  : i32 {
      %mul3A_151 = arith.constant 2 : i32
      %mul3A_152 = arith.muli %mul3A_151, %scan3A_150 : i32
      %dma_wait3A_153 = arith.constant 0 : i32
      %dma_wait3A_154 = tpu.memref_slice %arg7[%mul3A_152, %dma_wait3A_153] : memref<40x128xi32, #tpu.memory_space<vmem>> -> memref<1x128xi32, #tpu.memory_space<vmem>>
      %dma_wait3A_155 = tpu.memref_squeeze %dma_wait3A_154 : memref<1x128xi32, #tpu.memory_space<vmem>> -> memref<128xi32, #tpu.memory_space<vmem>>
      %dma_wait3A_156 = arith.constant 0 : i32
      %dma_wait3A_157 = arith.constant 0 : i32
      %dma_wait3A_158 = tpu.memref_slice %arg2[%dma_wait3A_156, %dma_wait3A_157] : memref<10240x128xf32, #tpu.memory_space<hbm>> -> memref<10240x128xf32, #tpu.memory_space<hbm>>
      tpu.wait_indirect_dma semaphore(%arg11 : memref<!tpu.dma_semaphore, #tpu.memory_space<semaphore_mem>>) src(%dma_wait3A_158 : memref<10240x128xf32, #tpu.memory_space<hbm>>) dst(%arg9 : memref<128x128xf32, #tpu.memory_space<vmem>>)
      %dma_start3A_159 = arith.constant 0 : i32
      %dma_start3A_160 = tpu.memref_slice %arg8[%mul3A_152, %dma_start3A_159] : memref<40x128xi32, #tpu.memory_space<vmem>> -> memref<1x128xi32, #tpu.memory_space<vmem>>
      %dma_start3A_161 = tpu.memref_squeeze %dma_start3A_160 : memref<1x128xi32, #tpu.memory_space<vmem>> -> memref<128xi32, #tpu.memory_space<vmem>>
      %dma_start3A_162 = arith.constant 0 : i32
      %dma_start3A_163 = arith.constant 0 : i32
      %dma_start3A_164 = tpu.memref_slice %arg15[%dma_start3A_162, %dma_start3A_163] : memref<10240x128xf32, #tpu.memory_space<vmem_shared>> -> memref<10240x128xf32, #tpu.memory_space<vmem_shared>>
      tpu.enqueue_indirect_dma source(%arg9 : memref<128x128xf32, #tpu.memory_space<vmem>>) target(%dma_start3A_164 : memref<10240x128xf32, #tpu.memory_space<vmem_shared>>) offsets(%dma_start3A_161 : memref<128xi32, #tpu.memory_space<vmem>>) semaphore(%arg13 : memref<!tpu.dma_semaphore, #tpu.memory_space<semaphore_mem>>) {add = true}
      %add3A_165 = arith.constant 1 : i32
      %add3A_166 = arith.addi %mul3A_152, %add3A_165 : i32
      %dma_wait3A_167 = arith.constant 0 : i32
      %dma_wait3A_168 = tpu.memref_slice %arg7[%add3A_166, %dma_wait3A_167] : memref<40x128xi32, #tpu.memory_space<vmem>> -> memref<1x128xi32, #tpu.memory_space<vmem>>
      %dma_wait3A_169 = tpu.memref_squeeze %dma_wait3A_168 : memref<1x128xi32, #tpu.memory_space<vmem>> -> memref<128xi32, #tpu.memory_space<vmem>>
      %dma_wait3A_170 = arith.constant 0 : i32
      %dma_wait3A_171 = arith.constant 0 : i32
      %dma_wait3A_172 = tpu.memref_slice %arg2[%dma_wait3A_170, %dma_wait3A_171] : memref<10240x128xf32, #tpu.memory_space<hbm>> -> memref<10240x128xf32, #tpu.memory_space<hbm>>
      tpu.wait_indirect_dma semaphore(%arg12 : memref<!tpu.dma_semaphore, #tpu.memory_space<semaphore_mem>>) src(%dma_wait3A_172 : memref<10240x128xf32, #tpu.memory_space<hbm>>) dst(%arg10 : memref<128x128xf32, #tpu.memory_space<vmem>>)
      %add3A_173 = arith.constant 1 : i32
      %add3A_174 = arith.addi %mul3A_152, %add3A_173 : i32
      %dma_start3A_175 = arith.constant 0 : i32
      %dma_start3A_176 = tpu.memref_slice %arg8[%add3A_174, %dma_start3A_175] : memref<40x128xi32, #tpu.memory_space<vmem>> -> memref<1x128xi32, #tpu.memory_space<vmem>>
      %dma_start3A_177 = tpu.memref_squeeze %dma_start3A_176 : memref<1x128xi32, #tpu.memory_space<vmem>> -> memref<128xi32, #tpu.memory_space<vmem>>
      %dma_start3A_178 = arith.constant 0 : i32
      %dma_start3A_179 = arith.constant 0 : i32
      %dma_start3A_180 = tpu.memref_slice %arg15[%dma_start3A_178, %dma_start3A_179] : memref<10240x128xf32, #tpu.memory_space<vmem_shared>> -> memref<10240x128xf32, #tpu.memory_space<vmem_shared>>
      tpu.enqueue_indirect_dma source(%arg10 : memref<128x128xf32, #tpu.memory_space<vmem>>) target(%dma_start3A_180 : memref<10240x128xf32, #tpu.memory_space<vmem_shared>>) offsets(%dma_start3A_177 : memref<128xi32, #tpu.memory_space<vmem>>) semaphore(%arg14 : memref<!tpu.dma_semaphore, #tpu.memory_space<semaphore_mem>>) {add = true}
      %dma_wait3A_181 = arith.constant 0 : i32
      %dma_wait3A_182 = tpu.memref_slice %arg8[%mul3A_152, %dma_wait3A_181] : memref<40x128xi32, #tpu.memory_space<vmem>> -> memref<1x128xi32, #tpu.memory_space<vmem>>
      %dma_wait3A_183 = tpu.memref_squeeze %dma_wait3A_182 : memref<1x128xi32, #tpu.memory_space<vmem>> -> memref<128xi32, #tpu.memory_space<vmem>>
      %dma_wait3A_184 = arith.constant 0 : i32
      %dma_wait3A_185 = arith.constant 0 : i32
      %dma_wait3A_186 = tpu.memref_slice %arg15[%dma_wait3A_184, %dma_wait3A_185] : memref<10240x128xf32, #tpu.memory_space<vmem_shared>> -> memref<10240x128xf32, #tpu.memory_space<vmem_shared>>
      tpu.wait_indirect_dma semaphore(%arg13 : memref<!tpu.dma_semaphore, #tpu.memory_space<semaphore_mem>>) src(%arg9 : memref<128x128xf32, #tpu.memory_space<vmem>>) dst(%dma_wait3A_186 : memref<10240x128xf32, #tpu.memory_space<vmem_shared>>)
      %add3A_187 = arith.constant 2 : i32
      %add3A_188 = arith.addi %mul3A_152, %add3A_187 : i32
      %dma_start3A_189 = arith.constant 0 : i32
      %dma_start3A_190 = tpu.memref_slice %arg7[%add3A_188, %dma_start3A_189] : memref<40x128xi32, #tpu.memory_space<vmem>> -> memref<1x128xi32, #tpu.memory_space<vmem>>
      %dma_start3A_191 = tpu.memref_squeeze %dma_start3A_190 : memref<1x128xi32, #tpu.memory_space<vmem>> -> memref<128xi32, #tpu.memory_space<vmem>>
      %dma_start3A_192 = arith.constant 0 : i32
      %dma_start3A_193 = arith.constant 0 : i32
      %dma_start3A_194 = tpu.memref_slice %arg2[%dma_start3A_192, %dma_start3A_193] : memref<10240x128xf32, #tpu.memory_space<hbm>> -> memref<10240x128xf32, #tpu.memory_space<hbm>>
      tpu.enqueue_indirect_dma source(%dma_start3A_194 : memref<10240x128xf32, #tpu.memory_space<hbm>>) target(%arg9 : memref<128x128xf32, #tpu.memory_space<vmem>>) offsets(%dma_start3A_191 : memref<128xi32, #tpu.memory_space<vmem>>) semaphore(%arg11 : memref<!tpu.dma_semaphore, #tpu.memory_space<semaphore_mem>>)
      %add3A_195 = arith.constant 1 : i32
      %add3A_196 = arith.addi %mul3A_152, %add3A_195 : i32
      %dma_wait3A_197 = arith.constant 0 : i32
      %dma_wait3A_198 = tpu.memref_slice %arg8[%add3A_196, %dma_wait3A_197] : memref<40x128xi32, #tpu.memory_space<vmem>> -> memref<1x128xi32, #tpu.memory_space<vmem>>
      %dma_wait3A_199 = tpu.memref_squeeze %dma_wait3A_198 : memref<1x128xi32, #tpu.memory_space<vmem>> -> memref<128xi32, #tpu.memory_space<vmem>>
      %dma_wait3A_200 = arith.constant 0 : i32
      %dma_wait3A_201 = arith.constant 0 : i32
      %dma_wait3A_202 = tpu.memref_slice %arg15[%dma_wait3A_200, %dma_wait3A_201] : memref<10240x128xf32, #tpu.memory_space<vmem_shared>> -> memref<10240x128xf32, #tpu.memory_space<vmem_shared>>
      tpu.wait_indirect_dma semaphore(%arg14 : memref<!tpu.dma_semaphore, #tpu.memory_space<semaphore_mem>>) src(%arg10 : memref<128x128xf32, #tpu.memory_space<vmem>>) dst(%dma_wait3A_202 : memref<10240x128xf32, #tpu.memory_space<vmem_shared>>)
      %add3A_203 = arith.constant 3 : i32
      %add3A_204 = arith.addi %mul3A_152, %add3A_203 : i32
      %dma_start3A_205 = arith.constant 0 : i32
      %dma_start3A_206 = tpu.memref_slice %arg7[%add3A_204, %dma_start3A_205] : memref<40x128xi32, #tpu.memory_space<vmem>> -> memref<1x128xi32, #tpu.memory_space<vmem>>
      %dma_start3A_207 = tpu.memref_squeeze %dma_start3A_206 : memref<1x128xi32, #tpu.memory_space<vmem>> -> memref<128xi32, #tpu.memory_space<vmem>>
      %dma_start3A_208 = arith.constant 0 : i32
      %dma_start3A_209 = arith.constant 0 : i32
      %dma_start3A_210 = tpu.memref_slice %arg2[%dma_start3A_208, %dma_start3A_209] : memref<10240x128xf32, #tpu.memory_space<hbm>> -> memref<10240x128xf32, #tpu.memory_space<hbm>>
      tpu.enqueue_indirect_dma source(%dma_start3A_210 : memref<10240x128xf32, #tpu.memory_space<hbm>>) target(%arg10 : memref<128x128xf32, #tpu.memory_space<vmem>>) offsets(%dma_start3A_207 : memref<128xi32, #tpu.memory_space<vmem>>) semaphore(%arg12 : memref<!tpu.dma_semaphore, #tpu.memory_space<semaphore_mem>>)
    }
    %scan3A_30 = arith.constant 19 : i32
    %dma_wait3A = arith.constant 38 : i32
    %dma_wait3A_31 = arith.constant 0 : i32
    %dma_wait3A_32 = tpu.memref_slice %arg7[%dma_wait3A, %dma_wait3A_31] : memref<40x128xi32, #tpu.memory_space<vmem>> -> memref<1x128xi32, #tpu.memory_space<vmem>>
    %dma_wait3A_33 = tpu.memref_squeeze %dma_wait3A_32 : memref<1x128xi32, #tpu.memory_space<vmem>> -> memref<128xi32, #tpu.memory_space<vmem>>
    %dma_wait3A_34 = arith.constant 0 : i32
    %dma_wait3A_35 = arith.constant 0 : i32
    %dma_wait3A_36 = tpu.memref_slice %arg2[%dma_wait3A_34, %dma_wait3A_35] : memref<10240x128xf32, #tpu.memory_space<hbm>> -> memref<10240x128xf32, #tpu.memory_space<hbm>>
    tpu.wait_indirect_dma semaphore(%arg11 : memref<!tpu.dma_semaphore, #tpu.memory_space<semaphore_mem>>) src(%dma_wait3A_36 : memref<10240x128xf32, #tpu.memory_space<hbm>>) dst(%arg9 : memref<128x128xf32, #tpu.memory_space<vmem>>)
    %dma_start3A_37 = arith.constant 38 : i32
    %dma_start3A_38 = arith.constant 0 : i32
    %dma_start3A_39 = tpu.memref_slice %arg8[%dma_start3A_37, %dma_start3A_38] : memref<40x128xi32, #tpu.memory_space<vmem>> -> memref<1x128xi32, #tpu.memory_space<vmem>>
    %dma_start3A_40 = tpu.memref_squeeze %dma_start3A_39 : memref<1x128xi32, #tpu.memory_space<vmem>> -> memref<128xi32, #tpu.memory_space<vmem>>
    %dma_start3A_41 = arith.constant 0 : i32
    %dma_start3A_42 = arith.constant 0 : i32
    %dma_start3A_43 = tpu.memref_slice %arg15[%dma_start3A_41, %dma_start3A_42] : memref<10240x128xf32, #tpu.memory_space<vmem_shared>> -> memref<10240x128xf32, #tpu.memory_space<vmem_shared>>
    tpu.enqueue_indirect_dma source(%arg9 : memref<128x128xf32, #tpu.memory_space<vmem>>) target(%dma_start3A_43 : memref<10240x128xf32, #tpu.memory_space<vmem_shared>>) offsets(%dma_start3A_40 : memref<128xi32, #tpu.memory_space<vmem>>) semaphore(%arg13 : memref<!tpu.dma_semaphore, #tpu.memory_space<semaphore_mem>>) {add = true}
    %dma_wait3A_44 = arith.constant 39 : i32
    %dma_wait3A_45 = arith.constant 0 : i32
    %dma_wait3A_46 = tpu.memref_slice %arg7[%dma_wait3A_44, %dma_wait3A_45] : memref<40x128xi32, #tpu.memory_space<vmem>> -> memref<1x128xi32, #tpu.memory_space<vmem>>
    %dma_wait3A_47 = tpu.memref_squeeze %dma_wait3A_46 : memref<1x128xi32, #tpu.memory_space<vmem>> -> memref<128xi32, #tpu.memory_space<vmem>>
    %dma_wait3A_48 = arith.constant 0 : i32
    %dma_wait3A_49 = arith.constant 0 : i32
    %dma_wait3A_50 = tpu.memref_slice %arg2[%dma_wait3A_48, %dma_wait3A_49] : memref<10240x128xf32, #tpu.memory_space<hbm>> -> memref<10240x128xf32, #tpu.memory_space<hbm>>
    tpu.wait_indirect_dma semaphore(%arg12 : memref<!tpu.dma_semaphore, #tpu.memory_space<semaphore_mem>>) src(%dma_wait3A_50 : memref<10240x128xf32, #tpu.memory_space<hbm>>) dst(%arg10 : memref<128x128xf32, #tpu.memory_space<vmem>>)
    %dma_start3A_51 = arith.constant 39 : i32
    %dma_start3A_52 = arith.constant 0 : i32
    %dma_start3A_53 = tpu.memref_slice %arg8[%dma_start3A_51, %dma_start3A_52] : memref<40x128xi32, #tpu.memory_space<vmem>> -> memref<1x128xi32, #tpu.memory_space<vmem>>
    %dma_start3A_54 = tpu.memref_squeeze %dma_start3A_53 : memref<1x128xi32, #tpu.memory_space<vmem>> -> memref<128xi32, #tpu.memory_space<vmem>>
    %dma_start3A_55 = arith.constant 0 : i32
    %dma_start3A_56 = arith.constant 0 : i32
    %dma_start3A_57 = tpu.memref_slice %arg15[%dma_start3A_55, %dma_start3A_56] : memref<10240x128xf32, #tpu.memory_space<vmem_shared>> -> memref<10240x128xf32, #tpu.memory_space<vmem_shared>>
    tpu.enqueue_indirect_dma source(%arg10 : memref<128x128xf32, #tpu.memory_space<vmem>>) target(%dma_start3A_57 : memref<10240x128xf32, #tpu.memory_space<vmem_shared>>) offsets(%dma_start3A_54 : memref<128xi32, #tpu.memory_space<vmem>>) semaphore(%arg14 : memref<!tpu.dma_semaphore, #tpu.memory_space<semaphore_mem>>) {add = true}
    %dma_wait3A_58 = arith.constant 38 : i32
    %dma_wait3A_59 = arith.constant 0 : i32
    %dma_wait3A_60 = tpu.memref_slice %arg8[%dma_wait3A_58, %dma_wait3A_59] : memref<40x128xi32, #tpu.memory_space<vmem>> -> memref<1x128xi32, #tpu.memory_space<vmem>>
    %dma_wait3A_61 = tpu.memref_squeeze %dma_wait3A_60 : memref<1x128xi32, #tpu.memory_space<vmem>> -> memref<128xi32, #tpu.memory_space<vmem>>
    %dma_wait3A_62 = arith.constant 0 : i32
    %dma_wait3A_63 = arith.constant 0 : i32
    %dma_wait3A_64 = tpu.memref_slice %arg15[%dma_wait3A_62, %dma_wait3A_63] : memref<10240x128xf32, #tpu.memory_space<vmem_shared>> -> memref<10240x128xf32, #tpu.memory_space<vmem_shared>>
    tpu.wait_indirect_dma semaphore(%arg13 : memref<!tpu.dma_semaphore, #tpu.memory_space<semaphore_mem>>) src(%arg9 : memref<128x128xf32, #tpu.memory_space<vmem>>) dst(%dma_wait3A_64 : memref<10240x128xf32, #tpu.memory_space<vmem_shared>>)
    %dma_wait3A_65 = arith.constant 39 : i32
    %dma_wait3A_66 = arith.constant 0 : i32
    %dma_wait3A_67 = tpu.memref_slice %arg8[%dma_wait3A_65, %dma_wait3A_66] : memref<40x128xi32, #tpu.memory_space<vmem>> -> memref<1x128xi32, #tpu.memory_space<vmem>>
    %dma_wait3A_68 = tpu.memref_squeeze %dma_wait3A_67 : memref<1x128xi32, #tpu.memory_space<vmem>> -> memref<128xi32, #tpu.memory_space<vmem>>
    %dma_wait3A_69 = arith.constant 0 : i32
    %dma_wait3A_70 = arith.constant 0 : i32
    %dma_wait3A_71 = tpu.memref_slice %arg15[%dma_wait3A_69, %dma_wait3A_70] : memref<10240x128xf32, #tpu.memory_space<vmem_shared>> -> memref<10240x128xf32, #tpu.memory_space<vmem_shared>>
    tpu.wait_indirect_dma semaphore(%arg14 : memref<!tpu.dma_semaphore, #tpu.memory_space<semaphore_mem>>) src(%arg10 : memref<128x128xf32, #tpu.memory_space<vmem>>) dst(%dma_wait3A_71 : memref<10240x128xf32, #tpu.memory_space<vmem_shared>>)
    %mul3A_72 = arith.constant 2 : i32
    %mul3A_73 = arith.muli %add3A, %mul3A_72 : i32
    %add3A_74 = arith.constant 1 : i32
    %add3A_75 = arith.addi %mul3A_73, %add3A_74 : i32
    "tpu.region"() ({
      %run_scoped3A = tpu.sem_alloc : memref<!tpu.dma_semaphore, #tpu.memory_space<semaphore_mem>>
      %dma_start3A_150 = arith.constant 0 : i32
      %dma_start3A_151 = arith.constant 0 : i32
      %dma_start3A_152 = tpu.memref_slice %arg3[%add3A_75, %dma_start3A_150, %dma_start3A_151] : memref<64x40x128xi32, #tpu.memory_space<hbm>> -> memref<1x40x128xi32, #tpu.memory_space<hbm>>
      %dma_start3A_153 = tpu.memref_squeeze %dma_start3A_152 : memref<1x40x128xi32, #tpu.memory_space<hbm>> -> memref<40x128xi32, #tpu.memory_space<hbm>>
      %dma_start3A_154 = arith.constant 0 : i32
      %dma_start3A_155 = arith.constant 0 : i32
      %dma_start3A_156 = tpu.memref_slice %arg3[%add3A_75, %dma_start3A_154, %dma_start3A_155] : memref<64x40x128xi32, #tpu.memory_space<hbm>> -> memref<1x40x128xi32, #tpu.memory_space<hbm>>
      %dma_start3A_157 = tpu.memref_squeeze %dma_start3A_156 : memref<1x40x128xi32, #tpu.memory_space<hbm>> -> memref<40x128xi32, #tpu.memory_space<hbm>>
      tpu.enqueue_dma source(%dma_start3A_157 : memref<40x128xi32, #tpu.memory_space<hbm>>) target(%arg7 : memref<40x128xi32, #tpu.memory_space<vmem>>) target_semaphore(%run_scoped3A : memref<!tpu.dma_semaphore, #tpu.memory_space<semaphore_mem>>)
      %dma_wait3A_158 = arith.constant 0 : i32
      %dma_wait3A_159 = arith.constant 0 : i32
      %dma_wait3A_160 = tpu.memref_slice %arg3[%add3A_75, %dma_wait3A_158, %dma_wait3A_159] : memref<64x40x128xi32, #tpu.memory_space<hbm>> -> memref<1x40x128xi32, #tpu.memory_space<hbm>>
      %dma_wait3A_161 = tpu.memref_squeeze %dma_wait3A_160 : memref<1x40x128xi32, #tpu.memory_space<hbm>> -> memref<40x128xi32, #tpu.memory_space<hbm>>
      %dma_wait3A_162 = arith.constant 0 : i32
      %dma_wait3A_163 = arith.constant 0 : i32
      %dma_wait3A_164 = tpu.memref_slice %arg3[%add3A_75, %dma_wait3A_162, %dma_wait3A_163] : memref<64x40x128xi32, #tpu.memory_space<hbm>> -> memref<1x40x128xi32, #tpu.memory_space<hbm>>
      %dma_wait3A_165 = tpu.memref_squeeze %dma_wait3A_164 : memref<1x40x128xi32, #tpu.memory_space<hbm>> -> memref<40x128xi32, #tpu.memory_space<hbm>>
      tpu.wait_dma2 semaphore(%run_scoped3A : memref<!tpu.dma_semaphore, #tpu.memory_space<semaphore_mem>>) src(%dma_wait3A_165 : memref<40x128xi32, #tpu.memory_space<hbm>>) dst(%arg7 : memref<40x128xi32, #tpu.memory_space<vmem>>)
      tpu.yield
    }) : () -> ()
    %mul3A_76 = arith.constant 2 : i32
    %mul3A_77 = arith.muli %add3A, %mul3A_76 : i32
    %add3A_78 = arith.constant 1 : i32
    %add3A_79 = arith.addi %mul3A_77, %add3A_78 : i32
    "tpu.region"() ({
      %run_scoped3A = tpu.sem_alloc : memref<!tpu.dma_semaphore, #tpu.memory_space<semaphore_mem>>
      %dma_start3A_150 = arith.constant 0 : i32
      %dma_start3A_151 = arith.constant 0 : i32
      %dma_start3A_152 = tpu.memref_slice %arg4[%add3A_79, %dma_start3A_150, %dma_start3A_151] : memref<64x40x128xi32, #tpu.memory_space<hbm>> -> memref<1x40x128xi32, #tpu.memory_space<hbm>>
      %dma_start3A_153 = tpu.memref_squeeze %dma_start3A_152 : memref<1x40x128xi32, #tpu.memory_space<hbm>> -> memref<40x128xi32, #tpu.memory_space<hbm>>
      %dma_start3A_154 = arith.constant 0 : i32
      %dma_start3A_155 = arith.constant 0 : i32
      %dma_start3A_156 = tpu.memref_slice %arg4[%add3A_79, %dma_start3A_154, %dma_start3A_155] : memref<64x40x128xi32, #tpu.memory_space<hbm>> -> memref<1x40x128xi32, #tpu.memory_space<hbm>>
      %dma_start3A_157 = tpu.memref_squeeze %dma_start3A_156 : memref<1x40x128xi32, #tpu.memory_space<hbm>> -> memref<40x128xi32, #tpu.memory_space<hbm>>
      tpu.enqueue_dma source(%dma_start3A_157 : memref<40x128xi32, #tpu.memory_space<hbm>>) target(%arg8 : memref<40x128xi32, #tpu.memory_space<vmem>>) target_semaphore(%run_scoped3A : memref<!tpu.dma_semaphore, #tpu.memory_space<semaphore_mem>>)
      %dma_wait3A_158 = arith.constant 0 : i32
      %dma_wait3A_159 = arith.constant 0 : i32
      %dma_wait3A_160 = tpu.memref_slice %arg4[%add3A_79, %dma_wait3A_158, %dma_wait3A_159] : memref<64x40x128xi32, #tpu.memory_space<hbm>> -> memref<1x40x128xi32, #tpu.memory_space<hbm>>
      %dma_wait3A_161 = tpu.memref_squeeze %dma_wait3A_160 : memref<1x40x128xi32, #tpu.memory_space<hbm>> -> memref<40x128xi32, #tpu.memory_space<hbm>>
      %dma_wait3A_162 = arith.constant 0 : i32
      %dma_wait3A_163 = arith.constant 0 : i32
      %dma_wait3A_164 = tpu.memref_slice %arg4[%add3A_79, %dma_wait3A_162, %dma_wait3A_163] : memref<64x40x128xi32, #tpu.memory_space<hbm>> -> memref<1x40x128xi32, #tpu.memory_space<hbm>>
      %dma_wait3A_165 = tpu.memref_squeeze %dma_wait3A_164 : memref<1x40x128xi32, #tpu.memory_space<hbm>> -> memref<40x128xi32, #tpu.memory_space<hbm>>
      tpu.wait_dma2 semaphore(%run_scoped3A : memref<!tpu.dma_semaphore, #tpu.memory_space<semaphore_mem>>) src(%dma_wait3A_165 : memref<40x128xi32, #tpu.memory_space<hbm>>) dst(%arg8 : memref<40x128xi32, #tpu.memory_space<vmem>>)
      tpu.yield
    }) : () -> ()
    %dma_start3A_80 = arith.constant 0 : i32
    %dma_start3A_81 = arith.constant 0 : i32
    %dma_start3A_82 = tpu.memref_slice %arg7[%dma_start3A_80, %dma_start3A_81] : memref<40x128xi32, #tpu.memory_space<vmem>> -> memref<1x128xi32, #tpu.memory_space<vmem>>
    %dma_start3A_83 = tpu.memref_squeeze %dma_start3A_82 : memref<1x128xi32, #tpu.memory_space<vmem>> -> memref<128xi32, #tpu.memory_space<vmem>>
    %dma_start3A_84 = arith.constant 0 : i32
    %dma_start3A_85 = arith.constant 0 : i32
    %dma_start3A_86 = tpu.memref_slice %arg2[%dma_start3A_84, %dma_start3A_85] : memref<10240x128xf32, #tpu.memory_space<hbm>> -> memref<10240x128xf32, #tpu.memory_space<hbm>>
    tpu.enqueue_indirect_dma source(%dma_start3A_86 : memref<10240x128xf32, #tpu.memory_space<hbm>>) target(%arg9 : memref<128x128xf32, #tpu.memory_space<vmem>>) offsets(%dma_start3A_83 : memref<128xi32, #tpu.memory_space<vmem>>) semaphore(%arg11 : memref<!tpu.dma_semaphore, #tpu.memory_space<semaphore_mem>>)
    %dma_start3A_87 = arith.constant 1 : i32
    %dma_start3A_88 = arith.constant 0 : i32
    %dma_start3A_89 = tpu.memref_slice %arg7[%dma_start3A_87, %dma_start3A_88] : memref<40x128xi32, #tpu.memory_space<vmem>> -> memref<1x128xi32, #tpu.memory_space<vmem>>
    %dma_start3A_90 = tpu.memref_squeeze %dma_start3A_89 : memref<1x128xi32, #tpu.memory_space<vmem>> -> memref<128xi32, #tpu.memory_space<vmem>>
    %dma_start3A_91 = arith.constant 0 : i32
    %dma_start3A_92 = arith.constant 0 : i32
    %dma_start3A_93 = tpu.memref_slice %arg2[%dma_start3A_91, %dma_start3A_92] : memref<10240x128xf32, #tpu.memory_space<hbm>> -> memref<10240x128xf32, #tpu.memory_space<hbm>>
    tpu.enqueue_indirect_dma source(%dma_start3A_93 : memref<10240x128xf32, #tpu.memory_space<hbm>>) target(%arg10 : memref<128x128xf32, #tpu.memory_space<vmem>>) offsets(%dma_start3A_90 : memref<128xi32, #tpu.memory_space<vmem>>) semaphore(%arg12 : memref<!tpu.dma_semaphore, #tpu.memory_space<semaphore_mem>>)
    %scan3A_94 = arith.constant 0 : i32
    %scan3A_95 = arith.constant 0 : i32
    %scan3A_96 = arith.constant 19 : i32
    %scan3A_97 = arith.addi %scan3A_95, %scan3A_96 : i32
    %scan3A_98 = arith.constant 1 : i32
    scf.for %scan3A_150 = %scan3A_95 to %scan3A_97 step %scan3A_98  : i32 {
      %mul3A_151 = arith.constant 2 : i32
      %mul3A_152 = arith.muli %mul3A_151, %scan3A_150 : i32
      %dma_wait3A_153 = arith.constant 0 : i32
      %dma_wait3A_154 = tpu.memref_slice %arg7[%mul3A_152, %dma_wait3A_153] : memref<40x128xi32, #tpu.memory_space<vmem>> -> memref<1x128xi32, #tpu.memory_space<vmem>>
      %dma_wait3A_155 = tpu.memref_squeeze %dma_wait3A_154 : memref<1x128xi32, #tpu.memory_space<vmem>> -> memref<128xi32, #tpu.memory_space<vmem>>
      %dma_wait3A_156 = arith.constant 0 : i32
      %dma_wait3A_157 = arith.constant 0 : i32
      %dma_wait3A_158 = tpu.memref_slice %arg2[%dma_wait3A_156, %dma_wait3A_157] : memref<10240x128xf32, #tpu.memory_space<hbm>> -> memref<10240x128xf32, #tpu.memory_space<hbm>>
      tpu.wait_indirect_dma semaphore(%arg11 : memref<!tpu.dma_semaphore, #tpu.memory_space<semaphore_mem>>) src(%dma_wait3A_158 : memref<10240x128xf32, #tpu.memory_space<hbm>>) dst(%arg9 : memref<128x128xf32, #tpu.memory_space<vmem>>)
      %dma_start3A_159 = arith.constant 0 : i32
      %dma_start3A_160 = tpu.memref_slice %arg8[%mul3A_152, %dma_start3A_159] : memref<40x128xi32, #tpu.memory_space<vmem>> -> memref<1x128xi32, #tpu.memory_space<vmem>>
      %dma_start3A_161 = tpu.memref_squeeze %dma_start3A_160 : memref<1x128xi32, #tpu.memory_space<vmem>> -> memref<128xi32, #tpu.memory_space<vmem>>
      %dma_start3A_162 = arith.constant 0 : i32
      %dma_start3A_163 = arith.constant 0 : i32
      %dma_start3A_164 = tpu.memref_slice %arg15[%dma_start3A_162, %dma_start3A_163] : memref<10240x128xf32, #tpu.memory_space<vmem_shared>> -> memref<10240x128xf32, #tpu.memory_space<vmem_shared>>
      tpu.enqueue_indirect_dma source(%arg9 : memref<128x128xf32, #tpu.memory_space<vmem>>) target(%dma_start3A_164 : memref<10240x128xf32, #tpu.memory_space<vmem_shared>>) offsets(%dma_start3A_161 : memref<128xi32, #tpu.memory_space<vmem>>) semaphore(%arg13 : memref<!tpu.dma_semaphore, #tpu.memory_space<semaphore_mem>>) {add = true}
      %add3A_165 = arith.constant 1 : i32
      %add3A_166 = arith.addi %mul3A_152, %add3A_165 : i32
      %dma_wait3A_167 = arith.constant 0 : i32
      %dma_wait3A_168 = tpu.memref_slice %arg7[%add3A_166, %dma_wait3A_167] : memref<40x128xi32, #tpu.memory_space<vmem>> -> memref<1x128xi32, #tpu.memory_space<vmem>>
      %dma_wait3A_169 = tpu.memref_squeeze %dma_wait3A_168 : memref<1x128xi32, #tpu.memory_space<vmem>> -> memref<128xi32, #tpu.memory_space<vmem>>
      %dma_wait3A_170 = arith.constant 0 : i32
      %dma_wait3A_171 = arith.constant 0 : i32
      %dma_wait3A_172 = tpu.memref_slice %arg2[%dma_wait3A_170, %dma_wait3A_171] : memref<10240x128xf32, #tpu.memory_space<hbm>> -> memref<10240x128xf32, #tpu.memory_space<hbm>>
      tpu.wait_indirect_dma semaphore(%arg12 : memref<!tpu.dma_semaphore, #tpu.memory_space<semaphore_mem>>) src(%dma_wait3A_172 : memref<10240x128xf32, #tpu.memory_space<hbm>>) dst(%arg10 : memref<128x128xf32, #tpu.memory_space<vmem>>)
      %add3A_173 = arith.constant 1 : i32
      %add3A_174 = arith.addi %mul3A_152, %add3A_173 : i32
      %dma_start3A_175 = arith.constant 0 : i32
      %dma_start3A_176 = tpu.memref_slice %arg8[%add3A_174, %dma_start3A_175] : memref<40x128xi32, #tpu.memory_space<vmem>> -> memref<1x128xi32, #tpu.memory_space<vmem>>
      %dma_start3A_177 = tpu.memref_squeeze %dma_start3A_176 : memref<1x128xi32, #tpu.memory_space<vmem>> -> memref<128xi32, #tpu.memory_space<vmem>>
      %dma_start3A_178 = arith.constant 0 : i32
      %dma_start3A_179 = arith.constant 0 : i32
      %dma_start3A_180 = tpu.memref_slice %arg15[%dma_start3A_178, %dma_start3A_179] : memref<10240x128xf32, #tpu.memory_space<vmem_shared>> -> memref<10240x128xf32, #tpu.memory_space<vmem_shared>>
      tpu.enqueue_indirect_dma source(%arg10 : memref<128x128xf32, #tpu.memory_space<vmem>>) target(%dma_start3A_180 : memref<10240x128xf32, #tpu.memory_space<vmem_shared>>) offsets(%dma_start3A_177 : memref<128xi32, #tpu.memory_space<vmem>>) semaphore(%arg14 : memref<!tpu.dma_semaphore, #tpu.memory_space<semaphore_mem>>) {add = true}
      %dma_wait3A_181 = arith.constant 0 : i32
      %dma_wait3A_182 = tpu.memref_slice %arg8[%mul3A_152, %dma_wait3A_181] : memref<40x128xi32, #tpu.memory_space<vmem>> -> memref<1x128xi32, #tpu.memory_space<vmem>>
      %dma_wait3A_183 = tpu.memref_squeeze %dma_wait3A_182 : memref<1x128xi32, #tpu.memory_space<vmem>> -> memref<128xi32, #tpu.memory_space<vmem>>
      %dma_wait3A_184 = arith.constant 0 : i32
      %dma_wait3A_185 = arith.constant 0 : i32
      %dma_wait3A_186 = tpu.memref_slice %arg15[%dma_wait3A_184, %dma_wait3A_185] : memref<10240x128xf32, #tpu.memory_space<vmem_shared>> -> memref<10240x128xf32, #tpu.memory_space<vmem_shared>>
      tpu.wait_indirect_dma semaphore(%arg13 : memref<!tpu.dma_semaphore, #tpu.memory_space<semaphore_mem>>) src(%arg9 : memref<128x128xf32, #tpu.memory_space<vmem>>) dst(%dma_wait3A_186 : memref<10240x128xf32, #tpu.memory_space<vmem_shared>>)
      %add3A_187 = arith.constant 2 : i32
      %add3A_188 = arith.addi %mul3A_152, %add3A_187 : i32
      %dma_start3A_189 = arith.constant 0 : i32
      %dma_start3A_190 = tpu.memref_slice %arg7[%add3A_188, %dma_start3A_189] : memref<40x128xi32, #tpu.memory_space<vmem>> -> memref<1x128xi32, #tpu.memory_space<vmem>>
      %dma_start3A_191 = tpu.memref_squeeze %dma_start3A_190 : memref<1x128xi32, #tpu.memory_space<vmem>> -> memref<128xi32, #tpu.memory_space<vmem>>
      %dma_start3A_192 = arith.constant 0 : i32
      %dma_start3A_193 = arith.constant 0 : i32
      %dma_start3A_194 = tpu.memref_slice %arg2[%dma_start3A_192, %dma_start3A_193] : memref<10240x128xf32, #tpu.memory_space<hbm>> -> memref<10240x128xf32, #tpu.memory_space<hbm>>
      tpu.enqueue_indirect_dma source(%dma_start3A_194 : memref<10240x128xf32, #tpu.memory_space<hbm>>) target(%arg9 : memref<128x128xf32, #tpu.memory_space<vmem>>) offsets(%dma_start3A_191 : memref<128xi32, #tpu.memory_space<vmem>>) semaphore(%arg11 : memref<!tpu.dma_semaphore, #tpu.memory_space<semaphore_mem>>)
      %add3A_195 = arith.constant 1 : i32
      %add3A_196 = arith.addi %mul3A_152, %add3A_195 : i32
      %dma_wait3A_197 = arith.constant 0 : i32
      %dma_wait3A_198 = tpu.memref_slice %arg8[%add3A_196, %dma_wait3A_197] : memref<40x128xi32, #tpu.memory_space<vmem>> -> memref<1x128xi32, #tpu.memory_space<vmem>>
      %dma_wait3A_199 = tpu.memref_squeeze %dma_wait3A_198 : memref<1x128xi32, #tpu.memory_space<vmem>> -> memref<128xi32, #tpu.memory_space<vmem>>
      %dma_wait3A_200 = arith.constant 0 : i32
      %dma_wait3A_201 = arith.constant 0 : i32
      %dma_wait3A_202 = tpu.memref_slice %arg15[%dma_wait3A_200, %dma_wait3A_201] : memref<10240x128xf32, #tpu.memory_space<vmem_shared>> -> memref<10240x128xf32, #tpu.memory_space<vmem_shared>>
      tpu.wait_indirect_dma semaphore(%arg14 : memref<!tpu.dma_semaphore, #tpu.memory_space<semaphore_mem>>) src(%arg10 : memref<128x128xf32, #tpu.memory_space<vmem>>) dst(%dma_wait3A_202 : memref<10240x128xf32, #tpu.memory_space<vmem_shared>>)
      %add3A_203 = arith.constant 3 : i32
      %add3A_204 = arith.addi %mul3A_152, %add3A_203 : i32
      %dma_start3A_205 = arith.constant 0 : i32
      %dma_start3A_206 = tpu.memref_slice %arg7[%add3A_204, %dma_start3A_205] : memref<40x128xi32, #tpu.memory_space<vmem>> -> memref<1x128xi32, #tpu.memory_space<vmem>>
      %dma_start3A_207 = tpu.memref_squeeze %dma_start3A_206 : memref<1x128xi32, #tpu.memory_space<vmem>> -> memref<128xi32, #tpu.memory_space<vmem>>
      %dma_start3A_208 = arith.constant 0 : i32
      %dma_start3A_209 = arith.constant 0 : i32
      %dma_start3A_210 = tpu.memref_slice %arg2[%dma_start3A_208, %dma_start3A_209] : memref<10240x128xf32, #tpu.memory_space<hbm>> -> memref<10240x128xf32, #tpu.memory_space<hbm>>
      tpu.enqueue_indirect_dma source(%dma_start3A_210 : memref<10240x128xf32, #tpu.memory_space<hbm>>) target(%arg10 : memref<128x128xf32, #tpu.memory_space<vmem>>) offsets(%dma_start3A_207 : memref<128xi32, #tpu.memory_space<vmem>>) semaphore(%arg12 : memref<!tpu.dma_semaphore, #tpu.memory_space<semaphore_mem>>)
    }
    %scan3A_99 = arith.constant 19 : i32
    %dma_wait3A_100 = arith.constant 38 : i32
    %dma_wait3A_101 = arith.constant 0 : i32
    %dma_wait3A_102 = tpu.memref_slice %arg7[%dma_wait3A_100, %dma_wait3A_101] : memref<40x128xi32, #tpu.memory_space<vmem>> -> memref<1x128xi32, #tpu.memory_space<vmem>>
    %dma_wait3A_103 = tpu.memref_squeeze %dma_wait3A_102 : memref<1x128xi32, #tpu.memory_space<vmem>> -> memref<128xi32, #tpu.memory_space<vmem>>
    %dma_wait3A_104 = arith.constant 0 : i32
    %dma_wait3A_105 = arith.constant 0 : i32
    %dma_wait3A_106 = tpu.memref_slice %arg2[%dma_wait3A_104, %dma_wait3A_105] : memref<10240x128xf32, #tpu.memory_space<hbm>> -> memref<10240x128xf32, #tpu.memory_space<hbm>>
    tpu.wait_indirect_dma semaphore(%arg11 : memref<!tpu.dma_semaphore, #tpu.memory_space<semaphore_mem>>) src(%dma_wait3A_106 : memref<10240x128xf32, #tpu.memory_space<hbm>>) dst(%arg9 : memref<128x128xf32, #tpu.memory_space<vmem>>)
    %dma_start3A_107 = arith.constant 38 : i32
    %dma_start3A_108 = arith.constant 0 : i32
    %dma_start3A_109 = tpu.memref_slice %arg8[%dma_start3A_107, %dma_start3A_108] : memref<40x128xi32, #tpu.memory_space<vmem>> -> memref<1x128xi32, #tpu.memory_space<vmem>>
    %dma_start3A_110 = tpu.memref_squeeze %dma_start3A_109 : memref<1x128xi32, #tpu.memory_space<vmem>> -> memref<128xi32, #tpu.memory_space<vmem>>
    %dma_start3A_111 = arith.constant 0 : i32
    %dma_start3A_112 = arith.constant 0 : i32
    %dma_start3A_113 = tpu.memref_slice %arg15[%dma_start3A_111, %dma_start3A_112] : memref<10240x128xf32, #tpu.memory_space<vmem_shared>> -> memref<10240x128xf32, #tpu.memory_space<vmem_shared>>
    tpu.enqueue_indirect_dma source(%arg9 : memref<128x128xf32, #tpu.memory_space<vmem>>) target(%dma_start3A_113 : memref<10240x128xf32, #tpu.memory_space<vmem_shared>>) offsets(%dma_start3A_110 : memref<128xi32, #tpu.memory_space<vmem>>) semaphore(%arg13 : memref<!tpu.dma_semaphore, #tpu.memory_space<semaphore_mem>>) {add = true}
    %dma_wait3A_114 = arith.constant 39 : i32
    %dma_wait3A_115 = arith.constant 0 : i32
    %dma_wait3A_116 = tpu.memref_slice %arg7[%dma_wait3A_114, %dma_wait3A_115] : memref<40x128xi32, #tpu.memory_space<vmem>> -> memref<1x128xi32, #tpu.memory_space<vmem>>
    %dma_wait3A_117 = tpu.memref_squeeze %dma_wait3A_116 : memref<1x128xi32, #tpu.memory_space<vmem>> -> memref<128xi32, #tpu.memory_space<vmem>>
    %dma_wait3A_118 = arith.constant 0 : i32
    %dma_wait3A_119 = arith.constant 0 : i32
    %dma_wait3A_120 = tpu.memref_slice %arg2[%dma_wait3A_118, %dma_wait3A_119] : memref<10240x128xf32, #tpu.memory_space<hbm>> -> memref<10240x128xf32, #tpu.memory_space<hbm>>
    tpu.wait_indirect_dma semaphore(%arg12 : memref<!tpu.dma_semaphore, #tpu.memory_space<semaphore_mem>>) src(%dma_wait3A_120 : memref<10240x128xf32, #tpu.memory_space<hbm>>) dst(%arg10 : memref<128x128xf32, #tpu.memory_space<vmem>>)
    %dma_start3A_121 = arith.constant 39 : i32
    %dma_start3A_122 = arith.constant 0 : i32
    %dma_start3A_123 = tpu.memref_slice %arg8[%dma_start3A_121, %dma_start3A_122] : memref<40x128xi32, #tpu.memory_space<vmem>> -> memref<1x128xi32, #tpu.memory_space<vmem>>
    %dma_start3A_124 = tpu.memref_squeeze %dma_start3A_123 : memref<1x128xi32, #tpu.memory_space<vmem>> -> memref<128xi32, #tpu.memory_space<vmem>>
    %dma_start3A_125 = arith.constant 0 : i32
    %dma_start3A_126 = arith.constant 0 : i32
    %dma_start3A_127 = tpu.memref_slice %arg15[%dma_start3A_125, %dma_start3A_126] : memref<10240x128xf32, #tpu.memory_space<vmem_shared>> -> memref<10240x128xf32, #tpu.memory_space<vmem_shared>>
    tpu.enqueue_indirect_dma source(%arg10 : memref<128x128xf32, #tpu.memory_space<vmem>>) target(%dma_start3A_127 : memref<10240x128xf32, #tpu.memory_space<vmem_shared>>) offsets(%dma_start3A_124 : memref<128xi32, #tpu.memory_space<vmem>>) semaphore(%arg14 : memref<!tpu.dma_semaphore, #tpu.memory_space<semaphore_mem>>) {add = true}
    %dma_wait3A_128 = arith.constant 38 : i32
    %dma_wait3A_129 = arith.constant 0 : i32
    %dma_wait3A_130 = tpu.memref_slice %arg8[%dma_wait3A_128, %dma_wait3A_129] : memref<40x128xi32, #tpu.memory_space<vmem>> -> memref<1x128xi32, #tpu.memory_space<vmem>>
    %dma_wait3A_131 = tpu.memref_squeeze %dma_wait3A_130 : memref<1x128xi32, #tpu.memory_space<vmem>> -> memref<128xi32, #tpu.memory_space<vmem>>
    %dma_wait3A_132 = arith.constant 0 : i32
    %dma_wait3A_133 = arith.constant 0 : i32
    %dma_wait3A_134 = tpu.memref_slice %arg15[%dma_wait3A_132, %dma_wait3A_133] : memref<10240x128xf32, #tpu.memory_space<vmem_shared>> -> memref<10240x128xf32, #tpu.memory_space<vmem_shared>>
    tpu.wait_indirect_dma semaphore(%arg13 : memref<!tpu.dma_semaphore, #tpu.memory_space<semaphore_mem>>) src(%arg9 : memref<128x128xf32, #tpu.memory_space<vmem>>) dst(%dma_wait3A_134 : memref<10240x128xf32, #tpu.memory_space<vmem_shared>>)
    %dma_wait3A_135 = arith.constant 39 : i32
    %dma_wait3A_136 = arith.constant 0 : i32
    %dma_wait3A_137 = tpu.memref_slice %arg8[%dma_wait3A_135, %dma_wait3A_136] : memref<40x128xi32, #tpu.memory_space<vmem>> -> memref<1x128xi32, #tpu.memory_space<vmem>>
    %dma_wait3A_138 = tpu.memref_squeeze %dma_wait3A_137 : memref<1x128xi32, #tpu.memory_space<vmem>> -> memref<128xi32, #tpu.memory_space<vmem>>
    %dma_wait3A_139 = arith.constant 0 : i32
    %dma_wait3A_140 = arith.constant 0 : i32
    %dma_wait3A_141 = tpu.memref_slice %arg15[%dma_wait3A_139, %dma_wait3A_140] : memref<10240x128xf32, #tpu.memory_space<vmem_shared>> -> memref<10240x128xf32, #tpu.memory_space<vmem_shared>>
    tpu.wait_indirect_dma semaphore(%arg14 : memref<!tpu.dma_semaphore, #tpu.memory_space<semaphore_mem>>) src(%arg10 : memref<128x128xf32, #tpu.memory_space<vmem>>) dst(%dma_wait3A_141 : memref<10240x128xf32, #tpu.memory_space<vmem_shared>>)
    %barrier3A_142 = arith.constant 0 : index
    tpu.barrier barrier_id(%barrier3A_142)
    %mul3A_143 = arith.constant 640 : i32
    %mul3A_144 = arith.muli %arg1, %mul3A_143 : i32
    %mul3A_145 = arith.constant 10240 : i32
    %mul3A_146 = arith.muli %arg0, %mul3A_145 : i32
    %mul3A_147 = arith.constant 640 : i32
    %mul3A_148 = arith.muli %arg1, %mul3A_147 : i32
    %add3A_149 = arith.addi %mul3A_146, %mul3A_148 : i32
    "tpu.region"() ({
      %run_scoped3A = tpu.sem_alloc : memref<!tpu.dma_semaphore, #tpu.memory_space<semaphore_mem>>
      %dma_start3A_150 = arith.constant 0 : i32
      %dma_start3A_151 = tpu.memref_slice %arg6[%add3A_149, %dma_start3A_150] : memref<20480x128xf32, #tpu.memory_space<hbm>> -> memref<640x128xf32, #tpu.memory_space<hbm>>
      %dma_start3A_152 = arith.constant 0 : i32
      %dma_start3A_153 = tpu.memref_slice %arg15[%mul3A_144, %dma_start3A_152] : memref<10240x128xf32, #tpu.memory_space<vmem_shared>> -> memref<640x128xf32, #tpu.memory_space<vmem_shared>>
      tpu.enqueue_dma source(%dma_start3A_153 : memref<640x128xf32, #tpu.memory_space<vmem_shared>>) target(%dma_start3A_151 : memref<640x128xf32, #tpu.memory_space<hbm>>) target_semaphore(%run_scoped3A : memref<!tpu.dma_semaphore, #tpu.memory_space<semaphore_mem>>)
      %dma_wait3A_154 = arith.constant 0 : i32
      %dma_wait3A_155 = tpu.memref_slice %arg6[%add3A_149, %dma_wait3A_154] : memref<20480x128xf32, #tpu.memory_space<hbm>> -> memref<640x128xf32, #tpu.memory_space<hbm>>
      %dma_wait3A_156 = arith.constant 0 : i32
      %dma_wait3A_157 = tpu.memref_slice %arg15[%mul3A_144, %dma_wait3A_156] : memref<10240x128xf32, #tpu.memory_space<vmem_shared>> -> memref<640x128xf32, #tpu.memory_space<vmem_shared>>
      tpu.wait_dma2 semaphore(%run_scoped3A : memref<!tpu.dma_semaphore, #tpu.memory_space<semaphore_mem>>) src(%dma_wait3A_157 : memref<640x128xf32, #tpu.memory_space<vmem_shared>>) dst(%dma_wait3A_155 : memref<640x128xf32, #tpu.memory_space<hbm>>)
      tpu.yield
    }) : () -> ()
    return
  }
}

#map = affine_map<(d0, d1) -> (0, 0)>
#map1 = affine_map<(d0, d1) -> (0, 0, 0)>
module attributes {stable_mosaic.version = 14 : i64} {
  func.func @_agg_body(%arg0: i32, %arg1: i32, %arg2: memref<10240x128xf32, #tpu.memory_space<hbm>>, %arg3: memref<64x40x128xi32, #tpu.memory_space<hbm>>, %arg4: memref<64x40x128xi32, #tpu.memory_space<hbm>>, %arg5: memref<10240x128xf32, #tpu.memory_space<hbm>>, %arg6: memref<20480x128xf32, #tpu.memory_space<hbm>>, %arg7: memref<40x128xi32, #tpu.memory_space<vmem>>, %arg8: memref<40x128xi32, #tpu.memory_space<vmem>>, %arg9: memref<128x128xf32, #tpu.memory_space<vmem>>, %arg10: memref<128x128xf32, #tpu.memory_space<vmem>>, %arg11: memref<!tpu.dma_semaphore, #tpu.memory_space<semaphore_mem>>, %arg12: memref<!tpu.dma_semaphore, #tpu.memory_space<semaphore_mem>>, %arg13: memref<!tpu.dma_semaphore, #tpu.memory_space<semaphore_mem>>, %arg14: memref<!tpu.dma_semaphore, #tpu.memory_space<semaphore_mem>>, %arg15: memref<10240x128xf32, #tpu.memory_space<vmem_shared>>) attributes {dimension_semantics = [#tpu.dimension_semantics<core_parallel>, #tpu.dimension_semantics<subcore_parallel>], iteration_bounds = array<i64: 2, 16>, scalar_prefetch = 0 : i64, scratch_operands = 9 : i64, tpu.core_type = #tpu.core_type<sc_vector_subcore>, window_params = [{transform_indices = #map}, {transform_indices = #map1}, {transform_indices = #map1}, {transform_indices = #map}, {transform_indices = #map}]} {
    %mul3A = arith.constant 16 : i32
    %mul3A_0 = arith.muli %arg0, %mul3A : i32
    %add3A = arith.addi %mul3A_0, %arg1 : i32
    %mul3A_1 = arith.constant 640 : i32
    %mul3A_2 = arith.muli %arg1, %mul3A_1 : i32
    %mul3A_3 = arith.constant 640 : i32
    %mul3A_4 = arith.muli %arg1, %mul3A_3 : i32
    "tpu.region"() ({
      %run_scoped3A = tpu.sem_alloc : memref<!tpu.dma_semaphore, #tpu.memory_space<semaphore_mem>>
      %dma_start3A_150 = arith.constant 0 : i32
      %dma_start3A_151 = tpu.memref_slice %arg15[%mul3A_4, %dma_start3A_150] : memref<10240x128xf32, #tpu.memory_space<vmem_shared>> -> memref<640x128xf32, #tpu.memory_space<vmem_shared>>
      %dma_start3A_152 = arith.constant 0 : i32
      %dma_start3A_153 = tpu.memref_slice %arg5[%mul3A_2, %dma_start3A_152] : memref<10240x128xf32, #tpu.memory_space<hbm>> -> memref<640x128xf32, #tpu.memory_space<hbm>>
      tpu.enqueue_dma source(%dma_start3A_153 : memref<640x128xf32, #tpu.memory_space<hbm>>) target(%dma_start3A_151 : memref<640x128xf32, #tpu.memory_space<vmem_shared>>) target_semaphore(%run_scoped3A : memref<!tpu.dma_semaphore, #tpu.memory_space<semaphore_mem>>)
      %dma_wait3A_154 = arith.constant 0 : i32
      %dma_wait3A_155 = tpu.memref_slice %arg15[%mul3A_4, %dma_wait3A_154] : memref<10240x128xf32, #tpu.memory_space<vmem_shared>> -> memref<640x128xf32, #tpu.memory_space<vmem_shared>>
      %dma_wait3A_156 = arith.constant 0 : i32
      %dma_wait3A_157 = tpu.memref_slice %arg5[%mul3A_2, %dma_wait3A_156] : memref<10240x128xf32, #tpu.memory_space<hbm>> -> memref<640x128xf32, #tpu.memory_space<hbm>>
      tpu.wait_dma2 semaphore(%run_scoped3A : memref<!tpu.dma_semaphore, #tpu.memory_space<semaphore_mem>>) src(%dma_wait3A_157 : memref<640x128xf32, #tpu.memory_space<hbm>>) dst(%dma_wait3A_155 : memref<640x128xf32, #tpu.memory_space<vmem_shared>>)
      tpu.yield
    }) : () -> ()
    %barrier3A = arith.constant 0 : index
    tpu.barrier barrier_id(%barrier3A)
    %mul3A_5 = arith.constant 2 : i32
    %mul3A_6 = arith.muli %add3A, %mul3A_5 : i32
    %add3A_7 = arith.constant 0 : i32
    %add3A_8 = arith.addi %mul3A_6, %add3A_7 : i32
    "tpu.region"() ({
      %run_scoped3A = tpu.sem_alloc : memref<!tpu.dma_semaphore, #tpu.memory_space<semaphore_mem>>
      %dma_start3A_150 = arith.constant 0 : i32
      %dma_start3A_151 = arith.constant 0 : i32
      %dma_start3A_152 = tpu.memref_slice %arg3[%add3A_8, %dma_start3A_150, %dma_start3A_151] : memref<64x40x128xi32, #tpu.memory_space<hbm>> -> memref<1x40x128xi32, #tpu.memory_space<hbm>>
      %dma_start3A_153 = tpu.memref_squeeze %dma_start3A_152 : memref<1x40x128xi32, #tpu.memory_space<hbm>> -> memref<40x128xi32, #tpu.memory_space<hbm>>
      %dma_start3A_154 = arith.constant 0 : i32
      %dma_start3A_155 = arith.constant 0 : i32
      %dma_start3A_156 = tpu.memref_slice %arg3[%add3A_8, %dma_start3A_154, %dma_start3A_155] : memref<64x40x128xi32, #tpu.memory_space<hbm>> -> memref<1x40x128xi32, #tpu.memory_space<hbm>>
      %dma_start3A_157 = tpu.memref_squeeze %dma_start3A_156 : memref<1x40x128xi32, #tpu.memory_space<hbm>> -> memref<40x128xi32, #tpu.memory_space<hbm>>
      tpu.enqueue_dma source(%dma_start3A_157 : memref<40x128xi32, #tpu.memory_space<hbm>>) target(%arg7 : memref<40x128xi32, #tpu.memory_space<vmem>>) target_semaphore(%run_scoped3A : memref<!tpu.dma_semaphore, #tpu.memory_space<semaphore_mem>>)
      %dma_wait3A_158 = arith.constant 0 : i32
      %dma_wait3A_159 = arith.constant 0 : i32
      %dma_wait3A_160 = tpu.memref_slice %arg3[%add3A_8, %dma_wait3A_158, %dma_wait3A_159] : memref<64x40x128xi32, #tpu.memory_space<hbm>> -> memref<1x40x128xi32, #tpu.memory_space<hbm>>
      %dma_wait3A_161 = tpu.memref_squeeze %dma_wait3A_160 : memref<1x40x128xi32, #tpu.memory_space<hbm>> -> memref<40x128xi32, #tpu.memory_space<hbm>>
      %dma_wait3A_162 = arith.constant 0 : i32
      %dma_wait3A_163 = arith.constant 0 : i32
      %dma_wait3A_164 = tpu.memref_slice %arg3[%add3A_8, %dma_wait3A_162, %dma_wait3A_163] : memref<64x40x128xi32, #tpu.memory_space<hbm>> -> memref<1x40x128xi32, #tpu.memory_space<hbm>>
      %dma_wait3A_165 = tpu.memref_squeeze %dma_wait3A_164 : memref<1x40x128xi32, #tpu.memory_space<hbm>> -> memref<40x128xi32, #tpu.memory_space<hbm>>
      tpu.wait_dma2 semaphore(%run_scoped3A : memref<!tpu.dma_semaphore, #tpu.memory_space<semaphore_mem>>) src(%dma_wait3A_165 : memref<40x128xi32, #tpu.memory_space<hbm>>) dst(%arg7 : memref<40x128xi32, #tpu.memory_space<vmem>>)
      tpu.yield
    }) : () -> ()
    %mul3A_9 = arith.constant 2 : i32
    %mul3A_10 = arith.muli %add3A, %mul3A_9 : i32
    %add3A_11 = arith.constant 0 : i32
    %add3A_12 = arith.addi %mul3A_10, %add3A_11 : i32
    "tpu.region"() ({
      %run_scoped3A = tpu.sem_alloc : memref<!tpu.dma_semaphore, #tpu.memory_space<semaphore_mem>>
      %dma_start3A_150 = arith.constant 0 : i32
      %dma_start3A_151 = arith.constant 0 : i32
      %dma_start3A_152 = tpu.memref_slice %arg4[%add3A_12, %dma_start3A_150, %dma_start3A_151] : memref<64x40x128xi32, #tpu.memory_space<hbm>> -> memref<1x40x128xi32, #tpu.memory_space<hbm>>
      %dma_start3A_153 = tpu.memref_squeeze %dma_start3A_152 : memref<1x40x128xi32, #tpu.memory_space<hbm>> -> memref<40x128xi32, #tpu.memory_space<hbm>>
      %dma_start3A_154 = arith.constant 0 : i32
      %dma_start3A_155 = arith.constant 0 : i32
      %dma_start3A_156 = tpu.memref_slice %arg4[%add3A_12, %dma_start3A_154, %dma_start3A_155] : memref<64x40x128xi32, #tpu.memory_space<hbm>> -> memref<1x40x128xi32, #tpu.memory_space<hbm>>
      %dma_start3A_157 = tpu.memref_squeeze %dma_start3A_156 : memref<1x40x128xi32, #tpu.memory_space<hbm>> -> memref<40x128xi32, #tpu.memory_space<hbm>>
      tpu.enqueue_dma source(%dma_start3A_157 : memref<40x128xi32, #tpu.memory_space<hbm>>) target(%arg8 : memref<40x128xi32, #tpu.memory_space<vmem>>) target_semaphore(%run_scoped3A : memref<!tpu.dma_semaphore, #tpu.memory_space<semaphore_mem>>)
      %dma_wait3A_158 = arith.constant 0 : i32
      %dma_wait3A_159 = arith.constant 0 : i32
      %dma_wait3A_160 = tpu.memref_slice %arg4[%add3A_12, %dma_wait3A_158, %dma_wait3A_159] : memref<64x40x128xi32, #tpu.memory_space<hbm>> -> memref<1x40x128xi32, #tpu.memory_space<hbm>>
      %dma_wait3A_161 = tpu.memref_squeeze %dma_wait3A_160 : memref<1x40x128xi32, #tpu.memory_space<hbm>> -> memref<40x128xi32, #tpu.memory_space<hbm>>
      %dma_wait3A_162 = arith.constant 0 : i32
      %dma_wait3A_163 = arith.constant 0 : i32
      %dma_wait3A_164 = tpu.memref_slice %arg4[%add3A_12, %dma_wait3A_162, %dma_wait3A_163] : memref<64x40x128xi32, #tpu.memory_space<hbm>> -> memref<1x40x128xi32, #tpu.memory_space<hbm>>
      %dma_wait3A_165 = tpu.memref_squeeze %dma_wait3A_164 : memref<1x40x128xi32, #tpu.memory_space<hbm>> -> memref<40x128xi32, #tpu.memory_space<hbm>>
      tpu.wait_dma2 semaphore(%run_scoped3A : memref<!tpu.dma_semaphore, #tpu.memory_space<semaphore_mem>>) src(%dma_wait3A_165 : memref<40x128xi32, #tpu.memory_space<hbm>>) dst(%arg8 : memref<40x128xi32, #tpu.memory_space<vmem>>)
      tpu.yield
    }) : () -> ()
    %dma_start3A = arith.constant 0 : i32
    %dma_start3A_13 = arith.constant 0 : i32
    %dma_start3A_14 = tpu.memref_slice %arg7[%dma_start3A, %dma_start3A_13] : memref<40x128xi32, #tpu.memory_space<vmem>> -> memref<1x128xi32, #tpu.memory_space<vmem>>
    %dma_start3A_15 = tpu.memref_squeeze %dma_start3A_14 : memref<1x128xi32, #tpu.memory_space<vmem>> -> memref<128xi32, #tpu.memory_space<vmem>>
    %dma_start3A_16 = arith.constant 0 : i32
    %dma_start3A_17 = arith.constant 0 : i32
    %dma_start3A_18 = tpu.memref_slice %arg2[%dma_start3A_16, %dma_start3A_17] : memref<10240x128xf32, #tpu.memory_space<hbm>> -> memref<10240x128xf32, #tpu.memory_space<hbm>>
    tpu.enqueue_indirect_dma source(%dma_start3A_18 : memref<10240x128xf32, #tpu.memory_space<hbm>>) target(%arg9 : memref<128x128xf32, #tpu.memory_space<vmem>>) offsets(%dma_start3A_15 : memref<128xi32, #tpu.memory_space<vmem>>) semaphore(%arg11 : memref<!tpu.dma_semaphore, #tpu.memory_space<semaphore_mem>>)
    %dma_start3A_19 = arith.constant 1 : i32
    %dma_start3A_20 = arith.constant 0 : i32
    %dma_start3A_21 = tpu.memref_slice %arg7[%dma_start3A_19, %dma_start3A_20] : memref<40x128xi32, #tpu.memory_space<vmem>> -> memref<1x128xi32, #tpu.memory_space<vmem>>
    %dma_start3A_22 = tpu.memref_squeeze %dma_start3A_21 : memref<1x128xi32, #tpu.memory_space<vmem>> -> memref<128xi32, #tpu.memory_space<vmem>>
    %dma_start3A_23 = arith.constant 0 : i32
    %dma_start3A_24 = arith.constant 0 : i32
    %dma_start3A_25 = tpu.memref_slice %arg2[%dma_start3A_23, %dma_start3A_24] : memref<10240x128xf32, #tpu.memory_space<hbm>> -> memref<10240x128xf32, #tpu.memory_space<hbm>>
    tpu.enqueue_indirect_dma source(%dma_start3A_25 : memref<10240x128xf32, #tpu.memory_space<hbm>>) target(%arg10 : memref<128x128xf32, #tpu.memory_space<vmem>>) offsets(%dma_start3A_22 : memref<128xi32, #tpu.memory_space<vmem>>) semaphore(%arg12 : memref<!tpu.dma_semaphore, #tpu.memory_space<semaphore_mem>>)
    %scan3A = arith.constant 0 : i32
    %scan3A_26 = arith.constant 0 : i32
    %scan3A_27 = arith.constant 19 : i32
    %scan3A_28 = arith.addi %scan3A_26, %scan3A_27 : i32
    %scan3A_29 = arith.constant 1 : i32
    scf.for %scan3A_150 = %scan3A_26 to %scan3A_28 step %scan3A_29  : i32 {
      %mul3A_151 = arith.constant 2 : i32
      %mul3A_152 = arith.muli %mul3A_151, %scan3A_150 : i32
      %dma_wait3A_153 = arith.constant 0 : i32
      %dma_wait3A_154 = tpu.memref_slice %arg7[%mul3A_152, %dma_wait3A_153] : memref<40x128xi32, #tpu.memory_space<vmem>> -> memref<1x128xi32, #tpu.memory_space<vmem>>
      %dma_wait3A_155 = tpu.memref_squeeze %dma_wait3A_154 : memref<1x128xi32, #tpu.memory_space<vmem>> -> memref<128xi32, #tpu.memory_space<vmem>>
      %dma_wait3A_156 = arith.constant 0 : i32
      %dma_wait3A_157 = arith.constant 0 : i32
      %dma_wait3A_158 = tpu.memref_slice %arg2[%dma_wait3A_156, %dma_wait3A_157] : memref<10240x128xf32, #tpu.memory_space<hbm>> -> memref<10240x128xf32, #tpu.memory_space<hbm>>
      tpu.wait_indirect_dma semaphore(%arg11 : memref<!tpu.dma_semaphore, #tpu.memory_space<semaphore_mem>>) src(%dma_wait3A_158 : memref<10240x128xf32, #tpu.memory_space<hbm>>) dst(%arg9 : memref<128x128xf32, #tpu.memory_space<vmem>>)
      %dma_start3A_159 = arith.constant 0 : i32
      %dma_start3A_160 = tpu.memref_slice %arg8[%mul3A_152, %dma_start3A_159] : memref<40x128xi32, #tpu.memory_space<vmem>> -> memref<1x128xi32, #tpu.memory_space<vmem>>
      %dma_start3A_161 = tpu.memref_squeeze %dma_start3A_160 : memref<1x128xi32, #tpu.memory_space<vmem>> -> memref<128xi32, #tpu.memory_space<vmem>>
      %dma_start3A_162 = arith.constant 0 : i32
      %dma_start3A_163 = arith.constant 0 : i32
      %dma_start3A_164 = tpu.memref_slice %arg15[%dma_start3A_162, %dma_start3A_163] : memref<10240x128xf32, #tpu.memory_space<vmem_shared>> -> memref<10240x128xf32, #tpu.memory_space<vmem_shared>>
      tpu.enqueue_indirect_dma source(%arg9 : memref<128x128xf32, #tpu.memory_space<vmem>>) target(%dma_start3A_164 : memref<10240x128xf32, #tpu.memory_space<vmem_shared>>) offsets(%dma_start3A_161 : memref<128xi32, #tpu.memory_space<vmem>>) semaphore(%arg13 : memref<!tpu.dma_semaphore, #tpu.memory_space<semaphore_mem>>) {add = true}
      %add3A_165 = arith.constant 1 : i32
      %add3A_166 = arith.addi %mul3A_152, %add3A_165 : i32
      %dma_wait3A_167 = arith.constant 0 : i32
      %dma_wait3A_168 = tpu.memref_slice %arg7[%add3A_166, %dma_wait3A_167] : memref<40x128xi32, #tpu.memory_space<vmem>> -> memref<1x128xi32, #tpu.memory_space<vmem>>
      %dma_wait3A_169 = tpu.memref_squeeze %dma_wait3A_168 : memref<1x128xi32, #tpu.memory_space<vmem>> -> memref<128xi32, #tpu.memory_space<vmem>>
      %dma_wait3A_170 = arith.constant 0 : i32
      %dma_wait3A_171 = arith.constant 0 : i32
      %dma_wait3A_172 = tpu.memref_slice %arg2[%dma_wait3A_170, %dma_wait3A_171] : memref<10240x128xf32, #tpu.memory_space<hbm>> -> memref<10240x128xf32, #tpu.memory_space<hbm>>
      tpu.wait_indirect_dma semaphore(%arg12 : memref<!tpu.dma_semaphore, #tpu.memory_space<semaphore_mem>>) src(%dma_wait3A_172 : memref<10240x128xf32, #tpu.memory_space<hbm>>) dst(%arg10 : memref<128x128xf32, #tpu.memory_space<vmem>>)
      %add3A_173 = arith.constant 1 : i32
      %add3A_174 = arith.addi %mul3A_152, %add3A_173 : i32
      %dma_start3A_175 = arith.constant 0 : i32
      %dma_start3A_176 = tpu.memref_slice %arg8[%add3A_174, %dma_start3A_175] : memref<40x128xi32, #tpu.memory_space<vmem>> -> memref<1x128xi32, #tpu.memory_space<vmem>>
      %dma_start3A_177 = tpu.memref_squeeze %dma_start3A_176 : memref<1x128xi32, #tpu.memory_space<vmem>> -> memref<128xi32, #tpu.memory_space<vmem>>
      %dma_start3A_178 = arith.constant 0 : i32
      %dma_start3A_179 = arith.constant 0 : i32
      %dma_start3A_180 = tpu.memref_slice %arg15[%dma_start3A_178, %dma_start3A_179] : memref<10240x128xf32, #tpu.memory_space<vmem_shared>> -> memref<10240x128xf32, #tpu.memory_space<vmem_shared>>
      tpu.enqueue_indirect_dma source(%arg10 : memref<128x128xf32, #tpu.memory_space<vmem>>) target(%dma_start3A_180 : memref<10240x128xf32, #tpu.memory_space<vmem_shared>>) offsets(%dma_start3A_177 : memref<128xi32, #tpu.memory_space<vmem>>) semaphore(%arg14 : memref<!tpu.dma_semaphore, #tpu.memory_space<semaphore_mem>>) {add = true}
      %dma_wait3A_181 = arith.constant 0 : i32
      %dma_wait3A_182 = tpu.memref_slice %arg8[%mul3A_152, %dma_wait3A_181] : memref<40x128xi32, #tpu.memory_space<vmem>> -> memref<1x128xi32, #tpu.memory_space<vmem>>
      %dma_wait3A_183 = tpu.memref_squeeze %dma_wait3A_182 : memref<1x128xi32, #tpu.memory_space<vmem>> -> memref<128xi32, #tpu.memory_space<vmem>>
      %dma_wait3A_184 = arith.constant 0 : i32
      %dma_wait3A_185 = arith.constant 0 : i32
      %dma_wait3A_186 = tpu.memref_slice %arg15[%dma_wait3A_184, %dma_wait3A_185] : memref<10240x128xf32, #tpu.memory_space<vmem_shared>> -> memref<10240x128xf32, #tpu.memory_space<vmem_shared>>
      tpu.wait_indirect_dma semaphore(%arg13 : memref<!tpu.dma_semaphore, #tpu.memory_space<semaphore_mem>>) src(%arg9 : memref<128x128xf32, #tpu.memory_space<vmem>>) dst(%dma_wait3A_186 : memref<10240x128xf32, #tpu.memory_space<vmem_shared>>)
      %add3A_187 = arith.constant 2 : i32
      %add3A_188 = arith.addi %mul3A_152, %add3A_187 : i32
      %dma_start3A_189 = arith.constant 0 : i32
      %dma_start3A_190 = tpu.memref_slice %arg7[%add3A_188, %dma_start3A_189] : memref<40x128xi32, #tpu.memory_space<vmem>> -> memref<1x128xi32, #tpu.memory_space<vmem>>
      %dma_start3A_191 = tpu.memref_squeeze %dma_start3A_190 : memref<1x128xi32, #tpu.memory_space<vmem>> -> memref<128xi32, #tpu.memory_space<vmem>>
      %dma_start3A_192 = arith.constant 0 : i32
      %dma_start3A_193 = arith.constant 0 : i32
      %dma_start3A_194 = tpu.memref_slice %arg2[%dma_start3A_192, %dma_start3A_193] : memref<10240x128xf32, #tpu.memory_space<hbm>> -> memref<10240x128xf32, #tpu.memory_space<hbm>>
      tpu.enqueue_indirect_dma source(%dma_start3A_194 : memref<10240x128xf32, #tpu.memory_space<hbm>>) target(%arg9 : memref<128x128xf32, #tpu.memory_space<vmem>>) offsets(%dma_start3A_191 : memref<128xi32, #tpu.memory_space<vmem>>) semaphore(%arg11 : memref<!tpu.dma_semaphore, #tpu.memory_space<semaphore_mem>>)
      %add3A_195 = arith.constant 1 : i32
      %add3A_196 = arith.addi %mul3A_152, %add3A_195 : i32
      %dma_wait3A_197 = arith.constant 0 : i32
      %dma_wait3A_198 = tpu.memref_slice %arg8[%add3A_196, %dma_wait3A_197] : memref<40x128xi32, #tpu.memory_space<vmem>> -> memref<1x128xi32, #tpu.memory_space<vmem>>
      %dma_wait3A_199 = tpu.memref_squeeze %dma_wait3A_198 : memref<1x128xi32, #tpu.memory_space<vmem>> -> memref<128xi32, #tpu.memory_space<vmem>>
      %dma_wait3A_200 = arith.constant 0 : i32
      %dma_wait3A_201 = arith.constant 0 : i32
      %dma_wait3A_202 = tpu.memref_slice %arg15[%dma_wait3A_200, %dma_wait3A_201] : memref<10240x128xf32, #tpu.memory_space<vmem_shared>> -> memref<10240x128xf32, #tpu.memory_space<vmem_shared>>
      tpu.wait_indirect_dma semaphore(%arg14 : memref<!tpu.dma_semaphore, #tpu.memory_space<semaphore_mem>>) src(%arg10 : memref<128x128xf32, #tpu.memory_space<vmem>>) dst(%dma_wait3A_202 : memref<10240x128xf32, #tpu.memory_space<vmem_shared>>)
      %add3A_203 = arith.constant 3 : i32
      %add3A_204 = arith.addi %mul3A_152, %add3A_203 : i32
      %dma_start3A_205 = arith.constant 0 : i32
      %dma_start3A_206 = tpu.memref_slice %arg7[%add3A_204, %dma_start3A_205] : memref<40x128xi32, #tpu.memory_space<vmem>> -> memref<1x128xi32, #tpu.memory_space<vmem>>
      %dma_start3A_207 = tpu.memref_squeeze %dma_start3A_206 : memref<1x128xi32, #tpu.memory_space<vmem>> -> memref<128xi32, #tpu.memory_space<vmem>>
      %dma_start3A_208 = arith.constant 0 : i32
      %dma_start3A_209 = arith.constant 0 : i32
      %dma_start3A_210 = tpu.memref_slice %arg2[%dma_start3A_208, %dma_start3A_209] : memref<10240x128xf32, #tpu.memory_space<hbm>> -> memref<10240x128xf32, #tpu.memory_space<hbm>>
      tpu.enqueue_indirect_dma source(%dma_start3A_210 : memref<10240x128xf32, #tpu.memory_space<hbm>>) target(%arg10 : memref<128x128xf32, #tpu.memory_space<vmem>>) offsets(%dma_start3A_207 : memref<128xi32, #tpu.memory_space<vmem>>) semaphore(%arg12 : memref<!tpu.dma_semaphore, #tpu.memory_space<semaphore_mem>>)
    }
    %scan3A_30 = arith.constant 19 : i32
    %dma_wait3A = arith.constant 38 : i32
    %dma_wait3A_31 = arith.constant 0 : i32
    %dma_wait3A_32 = tpu.memref_slice %arg7[%dma_wait3A, %dma_wait3A_31] : memref<40x128xi32, #tpu.memory_space<vmem>> -> memref<1x128xi32, #tpu.memory_space<vmem>>
    %dma_wait3A_33 = tpu.memref_squeeze %dma_wait3A_32 : memref<1x128xi32, #tpu.memory_space<vmem>> -> memref<128xi32, #tpu.memory_space<vmem>>
    %dma_wait3A_34 = arith.constant 0 : i32
    %dma_wait3A_35 = arith.constant 0 : i32
    %dma_wait3A_36 = tpu.memref_slice %arg2[%dma_wait3A_34, %dma_wait3A_35] : memref<10240x128xf32, #tpu.memory_space<hbm>> -> memref<10240x128xf32, #tpu.memory_space<hbm>>
    tpu.wait_indirect_dma semaphore(%arg11 : memref<!tpu.dma_semaphore, #tpu.memory_space<semaphore_mem>>) src(%dma_wait3A_36 : memref<10240x128xf32, #tpu.memory_space<hbm>>) dst(%arg9 : memref<128x128xf32, #tpu.memory_space<vmem>>)
    %dma_start3A_37 = arith.constant 38 : i32
    %dma_start3A_38 = arith.constant 0 : i32
    %dma_start3A_39 = tpu.memref_slice %arg8[%dma_start3A_37, %dma_start3A_38] : memref<40x128xi32, #tpu.memory_space<vmem>> -> memref<1x128xi32, #tpu.memory_space<vmem>>
    %dma_start3A_40 = tpu.memref_squeeze %dma_start3A_39 : memref<1x128xi32, #tpu.memory_space<vmem>> -> memref<128xi32, #tpu.memory_space<vmem>>
    %dma_start3A_41 = arith.constant 0 : i32
    %dma_start3A_42 = arith.constant 0 : i32
    %dma_start3A_43 = tpu.memref_slice %arg15[%dma_start3A_41, %dma_start3A_42] : memref<10240x128xf32, #tpu.memory_space<vmem_shared>> -> memref<10240x128xf32, #tpu.memory_space<vmem_shared>>
    tpu.enqueue_indirect_dma source(%arg9 : memref<128x128xf32, #tpu.memory_space<vmem>>) target(%dma_start3A_43 : memref<10240x128xf32, #tpu.memory_space<vmem_shared>>) offsets(%dma_start3A_40 : memref<128xi32, #tpu.memory_space<vmem>>) semaphore(%arg13 : memref<!tpu.dma_semaphore, #tpu.memory_space<semaphore_mem>>) {add = true}
    %dma_wait3A_44 = arith.constant 39 : i32
    %dma_wait3A_45 = arith.constant 0 : i32
    %dma_wait3A_46 = tpu.memref_slice %arg7[%dma_wait3A_44, %dma_wait3A_45] : memref<40x128xi32, #tpu.memory_space<vmem>> -> memref<1x128xi32, #tpu.memory_space<vmem>>
    %dma_wait3A_47 = tpu.memref_squeeze %dma_wait3A_46 : memref<1x128xi32, #tpu.memory_space<vmem>> -> memref<128xi32, #tpu.memory_space<vmem>>
    %dma_wait3A_48 = arith.constant 0 : i32
    %dma_wait3A_49 = arith.constant 0 : i32
    %dma_wait3A_50 = tpu.memref_slice %arg2[%dma_wait3A_48, %dma_wait3A_49] : memref<10240x128xf32, #tpu.memory_space<hbm>> -> memref<10240x128xf32, #tpu.memory_space<hbm>>
    tpu.wait_indirect_dma semaphore(%arg12 : memref<!tpu.dma_semaphore, #tpu.memory_space<semaphore_mem>>) src(%dma_wait3A_50 : memref<10240x128xf32, #tpu.memory_space<hbm>>) dst(%arg10 : memref<128x128xf32, #tpu.memory_space<vmem>>)
    %dma_start3A_51 = arith.constant 39 : i32
    %dma_start3A_52 = arith.constant 0 : i32
    %dma_start3A_53 = tpu.memref_slice %arg8[%dma_start3A_51, %dma_start3A_52] : memref<40x128xi32, #tpu.memory_space<vmem>> -> memref<1x128xi32, #tpu.memory_space<vmem>>
    %dma_start3A_54 = tpu.memref_squeeze %dma_start3A_53 : memref<1x128xi32, #tpu.memory_space<vmem>> -> memref<128xi32, #tpu.memory_space<vmem>>
    %dma_start3A_55 = arith.constant 0 : i32
    %dma_start3A_56 = arith.constant 0 : i32
    %dma_start3A_57 = tpu.memref_slice %arg15[%dma_start3A_55, %dma_start3A_56] : memref<10240x128xf32, #tpu.memory_space<vmem_shared>> -> memref<10240x128xf32, #tpu.memory_space<vmem_shared>>
    tpu.enqueue_indirect_dma source(%arg10 : memref<128x128xf32, #tpu.memory_space<vmem>>) target(%dma_start3A_57 : memref<10240x128xf32, #tpu.memory_space<vmem_shared>>) offsets(%dma_start3A_54 : memref<128xi32, #tpu.memory_space<vmem>>) semaphore(%arg14 : memref<!tpu.dma_semaphore, #tpu.memory_space<semaphore_mem>>) {add = true}
    %dma_wait3A_58 = arith.constant 38 : i32
    %dma_wait3A_59 = arith.constant 0 : i32
    %dma_wait3A_60 = tpu.memref_slice %arg8[%dma_wait3A_58, %dma_wait3A_59] : memref<40x128xi32, #tpu.memory_space<vmem>> -> memref<1x128xi32, #tpu.memory_space<vmem>>
    %dma_wait3A_61 = tpu.memref_squeeze %dma_wait3A_60 : memref<1x128xi32, #tpu.memory_space<vmem>> -> memref<128xi32, #tpu.memory_space<vmem>>
    %dma_wait3A_62 = arith.constant 0 : i32
    %dma_wait3A_63 = arith.constant 0 : i32
    %dma_wait3A_64 = tpu.memref_slice %arg15[%dma_wait3A_62, %dma_wait3A_63] : memref<10240x128xf32, #tpu.memory_space<vmem_shared>> -> memref<10240x128xf32, #tpu.memory_space<vmem_shared>>
    tpu.wait_indirect_dma semaphore(%arg13 : memref<!tpu.dma_semaphore, #tpu.memory_space<semaphore_mem>>) src(%arg9 : memref<128x128xf32, #tpu.memory_space<vmem>>) dst(%dma_wait3A_64 : memref<10240x128xf32, #tpu.memory_space<vmem_shared>>)
    %dma_wait3A_65 = arith.constant 39 : i32
    %dma_wait3A_66 = arith.constant 0 : i32
    %dma_wait3A_67 = tpu.memref_slice %arg8[%dma_wait3A_65, %dma_wait3A_66] : memref<40x128xi32, #tpu.memory_space<vmem>> -> memref<1x128xi32, #tpu.memory_space<vmem>>
    %dma_wait3A_68 = tpu.memref_squeeze %dma_wait3A_67 : memref<1x128xi32, #tpu.memory_space<vmem>> -> memref<128xi32, #tpu.memory_space<vmem>>
    %dma_wait3A_69 = arith.constant 0 : i32
    %dma_wait3A_70 = arith.constant 0 : i32
    %dma_wait3A_71 = tpu.memref_slice %arg15[%dma_wait3A_69, %dma_wait3A_70] : memref<10240x128xf32, #tpu.memory_space<vmem_shared>> -> memref<10240x128xf32, #tpu.memory_space<vmem_shared>>
    tpu.wait_indirect_dma semaphore(%arg14 : memref<!tpu.dma_semaphore, #tpu.memory_space<semaphore_mem>>) src(%arg10 : memref<128x128xf32, #tpu.memory_space<vmem>>) dst(%dma_wait3A_71 : memref<10240x128xf32, #tpu.memory_space<vmem_shared>>)
    %mul3A_72 = arith.constant 2 : i32
    %mul3A_73 = arith.muli %add3A, %mul3A_72 : i32
    %add3A_74 = arith.constant 1 : i32
    %add3A_75 = arith.addi %mul3A_73, %add3A_74 : i32
    "tpu.region"() ({
      %run_scoped3A = tpu.sem_alloc : memref<!tpu.dma_semaphore, #tpu.memory_space<semaphore_mem>>
      %dma_start3A_150 = arith.constant 0 : i32
      %dma_start3A_151 = arith.constant 0 : i32
      %dma_start3A_152 = tpu.memref_slice %arg3[%add3A_75, %dma_start3A_150, %dma_start3A_151] : memref<64x40x128xi32, #tpu.memory_space<hbm>> -> memref<1x40x128xi32, #tpu.memory_space<hbm>>
      %dma_start3A_153 = tpu.memref_squeeze %dma_start3A_152 : memref<1x40x128xi32, #tpu.memory_space<hbm>> -> memref<40x128xi32, #tpu.memory_space<hbm>>
      %dma_start3A_154 = arith.constant 0 : i32
      %dma_start3A_155 = arith.constant 0 : i32
      %dma_start3A_156 = tpu.memref_slice %arg3[%add3A_75, %dma_start3A_154, %dma_start3A_155] : memref<64x40x128xi32, #tpu.memory_space<hbm>> -> memref<1x40x128xi32, #tpu.memory_space<hbm>>
      %dma_start3A_157 = tpu.memref_squeeze %dma_start3A_156 : memref<1x40x128xi32, #tpu.memory_space<hbm>> -> memref<40x128xi32, #tpu.memory_space<hbm>>
      tpu.enqueue_dma source(%dma_start3A_157 : memref<40x128xi32, #tpu.memory_space<hbm>>) target(%arg7 : memref<40x128xi32, #tpu.memory_space<vmem>>) target_semaphore(%run_scoped3A : memref<!tpu.dma_semaphore, #tpu.memory_space<semaphore_mem>>)
      %dma_wait3A_158 = arith.constant 0 : i32
      %dma_wait3A_159 = arith.constant 0 : i32
      %dma_wait3A_160 = tpu.memref_slice %arg3[%add3A_75, %dma_wait3A_158, %dma_wait3A_159] : memref<64x40x128xi32, #tpu.memory_space<hbm>> -> memref<1x40x128xi32, #tpu.memory_space<hbm>>
      %dma_wait3A_161 = tpu.memref_squeeze %dma_wait3A_160 : memref<1x40x128xi32, #tpu.memory_space<hbm>> -> memref<40x128xi32, #tpu.memory_space<hbm>>
      %dma_wait3A_162 = arith.constant 0 : i32
      %dma_wait3A_163 = arith.constant 0 : i32
      %dma_wait3A_164 = tpu.memref_slice %arg3[%add3A_75, %dma_wait3A_162, %dma_wait3A_163] : memref<64x40x128xi32, #tpu.memory_space<hbm>> -> memref<1x40x128xi32, #tpu.memory_space<hbm>>
      %dma_wait3A_165 = tpu.memref_squeeze %dma_wait3A_164 : memref<1x40x128xi32, #tpu.memory_space<hbm>> -> memref<40x128xi32, #tpu.memory_space<hbm>>
      tpu.wait_dma2 semaphore(%run_scoped3A : memref<!tpu.dma_semaphore, #tpu.memory_space<semaphore_mem>>) src(%dma_wait3A_165 : memref<40x128xi32, #tpu.memory_space<hbm>>) dst(%arg7 : memref<40x128xi32, #tpu.memory_space<vmem>>)
      tpu.yield
    }) : () -> ()
    %mul3A_76 = arith.constant 2 : i32
    %mul3A_77 = arith.muli %add3A, %mul3A_76 : i32
    %add3A_78 = arith.constant 1 : i32
    %add3A_79 = arith.addi %mul3A_77, %add3A_78 : i32
    "tpu.region"() ({
      %run_scoped3A = tpu.sem_alloc : memref<!tpu.dma_semaphore, #tpu.memory_space<semaphore_mem>>
      %dma_start3A_150 = arith.constant 0 : i32
      %dma_start3A_151 = arith.constant 0 : i32
      %dma_start3A_152 = tpu.memref_slice %arg4[%add3A_79, %dma_start3A_150, %dma_start3A_151] : memref<64x40x128xi32, #tpu.memory_space<hbm>> -> memref<1x40x128xi32, #tpu.memory_space<hbm>>
      %dma_start3A_153 = tpu.memref_squeeze %dma_start3A_152 : memref<1x40x128xi32, #tpu.memory_space<hbm>> -> memref<40x128xi32, #tpu.memory_space<hbm>>
      %dma_start3A_154 = arith.constant 0 : i32
      %dma_start3A_155 = arith.constant 0 : i32
      %dma_start3A_156 = tpu.memref_slice %arg4[%add3A_79, %dma_start3A_154, %dma_start3A_155] : memref<64x40x128xi32, #tpu.memory_space<hbm>> -> memref<1x40x128xi32, #tpu.memory_space<hbm>>
      %dma_start3A_157 = tpu.memref_squeeze %dma_start3A_156 : memref<1x40x128xi32, #tpu.memory_space<hbm>> -> memref<40x128xi32, #tpu.memory_space<hbm>>
      tpu.enqueue_dma source(%dma_start3A_157 : memref<40x128xi32, #tpu.memory_space<hbm>>) target(%arg8 : memref<40x128xi32, #tpu.memory_space<vmem>>) target_semaphore(%run_scoped3A : memref<!tpu.dma_semaphore, #tpu.memory_space<semaphore_mem>>)
      %dma_wait3A_158 = arith.constant 0 : i32
      %dma_wait3A_159 = arith.constant 0 : i32
      %dma_wait3A_160 = tpu.memref_slice %arg4[%add3A_79, %dma_wait3A_158, %dma_wait3A_159] : memref<64x40x128xi32, #tpu.memory_space<hbm>> -> memref<1x40x128xi32, #tpu.memory_space<hbm>>
      %dma_wait3A_161 = tpu.memref_squeeze %dma_wait3A_160 : memref<1x40x128xi32, #tpu.memory_space<hbm>> -> memref<40x128xi32, #tpu.memory_space<hbm>>
      %dma_wait3A_162 = arith.constant 0 : i32
      %dma_wait3A_163 = arith.constant 0 : i32
      %dma_wait3A_164 = tpu.memref_slice %arg4[%add3A_79, %dma_wait3A_162, %dma_wait3A_163] : memref<64x40x128xi32, #tpu.memory_space<hbm>> -> memref<1x40x128xi32, #tpu.memory_space<hbm>>
      %dma_wait3A_165 = tpu.memref_squeeze %dma_wait3A_164 : memref<1x40x128xi32, #tpu.memory_space<hbm>> -> memref<40x128xi32, #tpu.memory_space<hbm>>
      tpu.wait_dma2 semaphore(%run_scoped3A : memref<!tpu.dma_semaphore, #tpu.memory_space<semaphore_mem>>) src(%dma_wait3A_165 : memref<40x128xi32, #tpu.memory_space<hbm>>) dst(%arg8 : memref<40x128xi32, #tpu.memory_space<vmem>>)
      tpu.yield
    }) : () -> ()
    %dma_start3A_80 = arith.constant 0 : i32
    %dma_start3A_81 = arith.constant 0 : i32
    %dma_start3A_82 = tpu.memref_slice %arg7[%dma_start3A_80, %dma_start3A_81] : memref<40x128xi32, #tpu.memory_space<vmem>> -> memref<1x128xi32, #tpu.memory_space<vmem>>
    %dma_start3A_83 = tpu.memref_squeeze %dma_start3A_82 : memref<1x128xi32, #tpu.memory_space<vmem>> -> memref<128xi32, #tpu.memory_space<vmem>>
    %dma_start3A_84 = arith.constant 0 : i32
    %dma_start3A_85 = arith.constant 0 : i32
    %dma_start3A_86 = tpu.memref_slice %arg2[%dma_start3A_84, %dma_start3A_85] : memref<10240x128xf32, #tpu.memory_space<hbm>> -> memref<10240x128xf32, #tpu.memory_space<hbm>>
    tpu.enqueue_indirect_dma source(%dma_start3A_86 : memref<10240x128xf32, #tpu.memory_space<hbm>>) target(%arg9 : memref<128x128xf32, #tpu.memory_space<vmem>>) offsets(%dma_start3A_83 : memref<128xi32, #tpu.memory_space<vmem>>) semaphore(%arg11 : memref<!tpu.dma_semaphore, #tpu.memory_space<semaphore_mem>>)
    %dma_start3A_87 = arith.constant 1 : i32
    %dma_start3A_88 = arith.constant 0 : i32
    %dma_start3A_89 = tpu.memref_slice %arg7[%dma_start3A_87, %dma_start3A_88] : memref<40x128xi32, #tpu.memory_space<vmem>> -> memref<1x128xi32, #tpu.memory_space<vmem>>
    %dma_start3A_90 = tpu.memref_squeeze %dma_start3A_89 : memref<1x128xi32, #tpu.memory_space<vmem>> -> memref<128xi32, #tpu.memory_space<vmem>>
    %dma_start3A_91 = arith.constant 0 : i32
    %dma_start3A_92 = arith.constant 0 : i32
    %dma_start3A_93 = tpu.memref_slice %arg2[%dma_start3A_91, %dma_start3A_92] : memref<10240x128xf32, #tpu.memory_space<hbm>> -> memref<10240x128xf32, #tpu.memory_space<hbm>>
    tpu.enqueue_indirect_dma source(%dma_start3A_93 : memref<10240x128xf32, #tpu.memory_space<hbm>>) target(%arg10 : memref<128x128xf32, #tpu.memory_space<vmem>>) offsets(%dma_start3A_90 : memref<128xi32, #tpu.memory_space<vmem>>) semaphore(%arg12 : memref<!tpu.dma_semaphore, #tpu.memory_space<semaphore_mem>>)
    %scan3A_94 = arith.constant 0 : i32
    %scan3A_95 = arith.constant 0 : i32
    %scan3A_96 = arith.constant 19 : i32
    %scan3A_97 = arith.addi %scan3A_95, %scan3A_96 : i32
    %scan3A_98 = arith.constant 1 : i32
    scf.for %scan3A_150 = %scan3A_95 to %scan3A_97 step %scan3A_98  : i32 {
      %mul3A_151 = arith.constant 2 : i32
      %mul3A_152 = arith.muli %mul3A_151, %scan3A_150 : i32
      %dma_wait3A_153 = arith.constant 0 : i32
      %dma_wait3A_154 = tpu.memref_slice %arg7[%mul3A_152, %dma_wait3A_153] : memref<40x128xi32, #tpu.memory_space<vmem>> -> memref<1x128xi32, #tpu.memory_space<vmem>>
      %dma_wait3A_155 = tpu.memref_squeeze %dma_wait3A_154 : memref<1x128xi32, #tpu.memory_space<vmem>> -> memref<128xi32, #tpu.memory_space<vmem>>
      %dma_wait3A_156 = arith.constant 0 : i32
      %dma_wait3A_157 = arith.constant 0 : i32
      %dma_wait3A_158 = tpu.memref_slice %arg2[%dma_wait3A_156, %dma_wait3A_157] : memref<10240x128xf32, #tpu.memory_space<hbm>> -> memref<10240x128xf32, #tpu.memory_space<hbm>>
      tpu.wait_indirect_dma semaphore(%arg11 : memref<!tpu.dma_semaphore, #tpu.memory_space<semaphore_mem>>) src(%dma_wait3A_158 : memref<10240x128xf32, #tpu.memory_space<hbm>>) dst(%arg9 : memref<128x128xf32, #tpu.memory_space<vmem>>)
      %dma_start3A_159 = arith.constant 0 : i32
      %dma_start3A_160 = tpu.memref_slice %arg8[%mul3A_152, %dma_start3A_159] : memref<40x128xi32, #tpu.memory_space<vmem>> -> memref<1x128xi32, #tpu.memory_space<vmem>>
      %dma_start3A_161 = tpu.memref_squeeze %dma_start3A_160 : memref<1x128xi32, #tpu.memory_space<vmem>> -> memref<128xi32, #tpu.memory_space<vmem>>
      %dma_start3A_162 = arith.constant 0 : i32
      %dma_start3A_163 = arith.constant 0 : i32
      %dma_start3A_164 = tpu.memref_slice %arg15[%dma_start3A_162, %dma_start3A_163] : memref<10240x128xf32, #tpu.memory_space<vmem_shared>> -> memref<10240x128xf32, #tpu.memory_space<vmem_shared>>
      tpu.enqueue_indirect_dma source(%arg9 : memref<128x128xf32, #tpu.memory_space<vmem>>) target(%dma_start3A_164 : memref<10240x128xf32, #tpu.memory_space<vmem_shared>>) offsets(%dma_start3A_161 : memref<128xi32, #tpu.memory_space<vmem>>) semaphore(%arg13 : memref<!tpu.dma_semaphore, #tpu.memory_space<semaphore_mem>>) {add = true}
      %add3A_165 = arith.constant 1 : i32
      %add3A_166 = arith.addi %mul3A_152, %add3A_165 : i32
      %dma_wait3A_167 = arith.constant 0 : i32
      %dma_wait3A_168 = tpu.memref_slice %arg7[%add3A_166, %dma_wait3A_167] : memref<40x128xi32, #tpu.memory_space<vmem>> -> memref<1x128xi32, #tpu.memory_space<vmem>>
      %dma_wait3A_169 = tpu.memref_squeeze %dma_wait3A_168 : memref<1x128xi32, #tpu.memory_space<vmem>> -> memref<128xi32, #tpu.memory_space<vmem>>
      %dma_wait3A_170 = arith.constant 0 : i32
      %dma_wait3A_171 = arith.constant 0 : i32
      %dma_wait3A_172 = tpu.memref_slice %arg2[%dma_wait3A_170, %dma_wait3A_171] : memref<10240x128xf32, #tpu.memory_space<hbm>> -> memref<10240x128xf32, #tpu.memory_space<hbm>>
      tpu.wait_indirect_dma semaphore(%arg12 : memref<!tpu.dma_semaphore, #tpu.memory_space<semaphore_mem>>) src(%dma_wait3A_172 : memref<10240x128xf32, #tpu.memory_space<hbm>>) dst(%arg10 : memref<128x128xf32, #tpu.memory_space<vmem>>)
      %add3A_173 = arith.constant 1 : i32
      %add3A_174 = arith.addi %mul3A_152, %add3A_173 : i32
      %dma_start3A_175 = arith.constant 0 : i32
      %dma_start3A_176 = tpu.memref_slice %arg8[%add3A_174, %dma_start3A_175] : memref<40x128xi32, #tpu.memory_space<vmem>> -> memref<1x128xi32, #tpu.memory_space<vmem>>
      %dma_start3A_177 = tpu.memref_squeeze %dma_start3A_176 : memref<1x128xi32, #tpu.memory_space<vmem>> -> memref<128xi32, #tpu.memory_space<vmem>>
      %dma_start3A_178 = arith.constant 0 : i32
      %dma_start3A_179 = arith.constant 0 : i32
      %dma_start3A_180 = tpu.memref_slice %arg15[%dma_start3A_178, %dma_start3A_179] : memref<10240x128xf32, #tpu.memory_space<vmem_shared>> -> memref<10240x128xf32, #tpu.memory_space<vmem_shared>>
      tpu.enqueue_indirect_dma source(%arg10 : memref<128x128xf32, #tpu.memory_space<vmem>>) target(%dma_start3A_180 : memref<10240x128xf32, #tpu.memory_space<vmem_shared>>) offsets(%dma_start3A_177 : memref<128xi32, #tpu.memory_space<vmem>>) semaphore(%arg14 : memref<!tpu.dma_semaphore, #tpu.memory_space<semaphore_mem>>) {add = true}
      %dma_wait3A_181 = arith.constant 0 : i32
      %dma_wait3A_182 = tpu.memref_slice %arg8[%mul3A_152, %dma_wait3A_181] : memref<40x128xi32, #tpu.memory_space<vmem>> -> memref<1x128xi32, #tpu.memory_space<vmem>>
      %dma_wait3A_183 = tpu.memref_squeeze %dma_wait3A_182 : memref<1x128xi32, #tpu.memory_space<vmem>> -> memref<128xi32, #tpu.memory_space<vmem>>
      %dma_wait3A_184 = arith.constant 0 : i32
      %dma_wait3A_185 = arith.constant 0 : i32
      %dma_wait3A_186 = tpu.memref_slice %arg15[%dma_wait3A_184, %dma_wait3A_185] : memref<10240x128xf32, #tpu.memory_space<vmem_shared>> -> memref<10240x128xf32, #tpu.memory_space<vmem_shared>>
      tpu.wait_indirect_dma semaphore(%arg13 : memref<!tpu.dma_semaphore, #tpu.memory_space<semaphore_mem>>) src(%arg9 : memref<128x128xf32, #tpu.memory_space<vmem>>) dst(%dma_wait3A_186 : memref<10240x128xf32, #tpu.memory_space<vmem_shared>>)
      %add3A_187 = arith.constant 2 : i32
      %add3A_188 = arith.addi %mul3A_152, %add3A_187 : i32
      %dma_start3A_189 = arith.constant 0 : i32
      %dma_start3A_190 = tpu.memref_slice %arg7[%add3A_188, %dma_start3A_189] : memref<40x128xi32, #tpu.memory_space<vmem>> -> memref<1x128xi32, #tpu.memory_space<vmem>>
      %dma_start3A_191 = tpu.memref_squeeze %dma_start3A_190 : memref<1x128xi32, #tpu.memory_space<vmem>> -> memref<128xi32, #tpu.memory_space<vmem>>
      %dma_start3A_192 = arith.constant 0 : i32
      %dma_start3A_193 = arith.constant 0 : i32
      %dma_start3A_194 = tpu.memref_slice %arg2[%dma_start3A_192, %dma_start3A_193] : memref<10240x128xf32, #tpu.memory_space<hbm>> -> memref<10240x128xf32, #tpu.memory_space<hbm>>
      tpu.enqueue_indirect_dma source(%dma_start3A_194 : memref<10240x128xf32, #tpu.memory_space<hbm>>) target(%arg9 : memref<128x128xf32, #tpu.memory_space<vmem>>) offsets(%dma_start3A_191 : memref<128xi32, #tpu.memory_space<vmem>>) semaphore(%arg11 : memref<!tpu.dma_semaphore, #tpu.memory_space<semaphore_mem>>)
      %add3A_195 = arith.constant 1 : i32
      %add3A_196 = arith.addi %mul3A_152, %add3A_195 : i32
      %dma_wait3A_197 = arith.constant 0 : i32
      %dma_wait3A_198 = tpu.memref_slice %arg8[%add3A_196, %dma_wait3A_197] : memref<40x128xi32, #tpu.memory_space<vmem>> -> memref<1x128xi32, #tpu.memory_space<vmem>>
      %dma_wait3A_199 = tpu.memref_squeeze %dma_wait3A_198 : memref<1x128xi32, #tpu.memory_space<vmem>> -> memref<128xi32, #tpu.memory_space<vmem>>
      %dma_wait3A_200 = arith.constant 0 : i32
      %dma_wait3A_201 = arith.constant 0 : i32
      %dma_wait3A_202 = tpu.memref_slice %arg15[%dma_wait3A_200, %dma_wait3A_201] : memref<10240x128xf32, #tpu.memory_space<vmem_shared>> -> memref<10240x128xf32, #tpu.memory_space<vmem_shared>>
      tpu.wait_indirect_dma semaphore(%arg14 : memref<!tpu.dma_semaphore, #tpu.memory_space<semaphore_mem>>) src(%arg10 : memref<128x128xf32, #tpu.memory_space<vmem>>) dst(%dma_wait3A_202 : memref<10240x128xf32, #tpu.memory_space<vmem_shared>>)
      %add3A_203 = arith.constant 3 : i32
      %add3A_204 = arith.addi %mul3A_152, %add3A_203 : i32
      %dma_start3A_205 = arith.constant 0 : i32
      %dma_start3A_206 = tpu.memref_slice %arg7[%add3A_204, %dma_start3A_205] : memref<40x128xi32, #tpu.memory_space<vmem>> -> memref<1x128xi32, #tpu.memory_space<vmem>>
      %dma_start3A_207 = tpu.memref_squeeze %dma_start3A_206 : memref<1x128xi32, #tpu.memory_space<vmem>> -> memref<128xi32, #tpu.memory_space<vmem>>
      %dma_start3A_208 = arith.constant 0 : i32
      %dma_start3A_209 = arith.constant 0 : i32
      %dma_start3A_210 = tpu.memref_slice %arg2[%dma_start3A_208, %dma_start3A_209] : memref<10240x128xf32, #tpu.memory_space<hbm>> -> memref<10240x128xf32, #tpu.memory_space<hbm>>
      tpu.enqueue_indirect_dma source(%dma_start3A_210 : memref<10240x128xf32, #tpu.memory_space<hbm>>) target(%arg10 : memref<128x128xf32, #tpu.memory_space<vmem>>) offsets(%dma_start3A_207 : memref<128xi32, #tpu.memory_space<vmem>>) semaphore(%arg12 : memref<!tpu.dma_semaphore, #tpu.memory_space<semaphore_mem>>)
    }
    %scan3A_99 = arith.constant 19 : i32
    %dma_wait3A_100 = arith.constant 38 : i32
    %dma_wait3A_101 = arith.constant 0 : i32
    %dma_wait3A_102 = tpu.memref_slice %arg7[%dma_wait3A_100, %dma_wait3A_101] : memref<40x128xi32, #tpu.memory_space<vmem>> -> memref<1x128xi32, #tpu.memory_space<vmem>>
    %dma_wait3A_103 = tpu.memref_squeeze %dma_wait3A_102 : memref<1x128xi32, #tpu.memory_space<vmem>> -> memref<128xi32, #tpu.memory_space<vmem>>
    %dma_wait3A_104 = arith.constant 0 : i32
    %dma_wait3A_105 = arith.constant 0 : i32
    %dma_wait3A_106 = tpu.memref_slice %arg2[%dma_wait3A_104, %dma_wait3A_105] : memref<10240x128xf32, #tpu.memory_space<hbm>> -> memref<10240x128xf32, #tpu.memory_space<hbm>>
    tpu.wait_indirect_dma semaphore(%arg11 : memref<!tpu.dma_semaphore, #tpu.memory_space<semaphore_mem>>) src(%dma_wait3A_106 : memref<10240x128xf32, #tpu.memory_space<hbm>>) dst(%arg9 : memref<128x128xf32, #tpu.memory_space<vmem>>)
    %dma_start3A_107 = arith.constant 38 : i32
    %dma_start3A_108 = arith.constant 0 : i32
    %dma_start3A_109 = tpu.memref_slice %arg8[%dma_start3A_107, %dma_start3A_108] : memref<40x128xi32, #tpu.memory_space<vmem>> -> memref<1x128xi32, #tpu.memory_space<vmem>>
    %dma_start3A_110 = tpu.memref_squeeze %dma_start3A_109 : memref<1x128xi32, #tpu.memory_space<vmem>> -> memref<128xi32, #tpu.memory_space<vmem>>
    %dma_start3A_111 = arith.constant 0 : i32
    %dma_start3A_112 = arith.constant 0 : i32
    %dma_start3A_113 = tpu.memref_slice %arg15[%dma_start3A_111, %dma_start3A_112] : memref<10240x128xf32, #tpu.memory_space<vmem_shared>> -> memref<10240x128xf32, #tpu.memory_space<vmem_shared>>
    tpu.enqueue_indirect_dma source(%arg9 : memref<128x128xf32, #tpu.memory_space<vmem>>) target(%dma_start3A_113 : memref<10240x128xf32, #tpu.memory_space<vmem_shared>>) offsets(%dma_start3A_110 : memref<128xi32, #tpu.memory_space<vmem>>) semaphore(%arg13 : memref<!tpu.dma_semaphore, #tpu.memory_space<semaphore_mem>>) {add = true}
    %dma_wait3A_114 = arith.constant 39 : i32
    %dma_wait3A_115 = arith.constant 0 : i32
    %dma_wait3A_116 = tpu.memref_slice %arg7[%dma_wait3A_114, %dma_wait3A_115] : memref<40x128xi32, #tpu.memory_space<vmem>> -> memref<1x128xi32, #tpu.memory_space<vmem>>
    %dma_wait3A_117 = tpu.memref_squeeze %dma_wait3A_116 : memref<1x128xi32, #tpu.memory_space<vmem>> -> memref<128xi32, #tpu.memory_space<vmem>>
    %dma_wait3A_118 = arith.constant 0 : i32
    %dma_wait3A_119 = arith.constant 0 : i32
    %dma_wait3A_120 = tpu.memref_slice %arg2[%dma_wait3A_118, %dma_wait3A_119] : memref<10240x128xf32, #tpu.memory_space<hbm>> -> memref<10240x128xf32, #tpu.memory_space<hbm>>
    tpu.wait_indirect_dma semaphore(%arg12 : memref<!tpu.dma_semaphore, #tpu.memory_space<semaphore_mem>>) src(%dma_wait3A_120 : memref<10240x128xf32, #tpu.memory_space<hbm>>) dst(%arg10 : memref<128x128xf32, #tpu.memory_space<vmem>>)
    %dma_start3A_121 = arith.constant 39 : i32
    %dma_start3A_122 = arith.constant 0 : i32
    %dma_start3A_123 = tpu.memref_slice %arg8[%dma_start3A_121, %dma_start3A_122] : memref<40x128xi32, #tpu.memory_space<vmem>> -> memref<1x128xi32, #tpu.memory_space<vmem>>
    %dma_start3A_124 = tpu.memref_squeeze %dma_start3A_123 : memref<1x128xi32, #tpu.memory_space<vmem>> -> memref<128xi32, #tpu.memory_space<vmem>>
    %dma_start3A_125 = arith.constant 0 : i32
    %dma_start3A_126 = arith.constant 0 : i32
    %dma_start3A_127 = tpu.memref_slice %arg15[%dma_start3A_125, %dma_start3A_126] : memref<10240x128xf32, #tpu.memory_space<vmem_shared>> -> memref<10240x128xf32, #tpu.memory_space<vmem_shared>>
    tpu.enqueue_indirect_dma source(%arg10 : memref<128x128xf32, #tpu.memory_space<vmem>>) target(%dma_start3A_127 : memref<10240x128xf32, #tpu.memory_space<vmem_shared>>) offsets(%dma_start3A_124 : memref<128xi32, #tpu.memory_space<vmem>>) semaphore(%arg14 : memref<!tpu.dma_semaphore, #tpu.memory_space<semaphore_mem>>) {add = true}
    %dma_wait3A_128 = arith.constant 38 : i32
    %dma_wait3A_129 = arith.constant 0 : i32
    %dma_wait3A_130 = tpu.memref_slice %arg8[%dma_wait3A_128, %dma_wait3A_129] : memref<40x128xi32, #tpu.memory_space<vmem>> -> memref<1x128xi32, #tpu.memory_space<vmem>>
    %dma_wait3A_131 = tpu.memref_squeeze %dma_wait3A_130 : memref<1x128xi32, #tpu.memory_space<vmem>> -> memref<128xi32, #tpu.memory_space<vmem>>
    %dma_wait3A_132 = arith.constant 0 : i32
    %dma_wait3A_133 = arith.constant 0 : i32
    %dma_wait3A_134 = tpu.memref_slice %arg15[%dma_wait3A_132, %dma_wait3A_133] : memref<10240x128xf32, #tpu.memory_space<vmem_shared>> -> memref<10240x128xf32, #tpu.memory_space<vmem_shared>>
    tpu.wait_indirect_dma semaphore(%arg13 : memref<!tpu.dma_semaphore, #tpu.memory_space<semaphore_mem>>) src(%arg9 : memref<128x128xf32, #tpu.memory_space<vmem>>) dst(%dma_wait3A_134 : memref<10240x128xf32, #tpu.memory_space<vmem_shared>>)
    %dma_wait3A_135 = arith.constant 39 : i32
    %dma_wait3A_136 = arith.constant 0 : i32
    %dma_wait3A_137 = tpu.memref_slice %arg8[%dma_wait3A_135, %dma_wait3A_136] : memref<40x128xi32, #tpu.memory_space<vmem>> -> memref<1x128xi32, #tpu.memory_space<vmem>>
    %dma_wait3A_138 = tpu.memref_squeeze %dma_wait3A_137 : memref<1x128xi32, #tpu.memory_space<vmem>> -> memref<128xi32, #tpu.memory_space<vmem>>
    %dma_wait3A_139 = arith.constant 0 : i32
    %dma_wait3A_140 = arith.constant 0 : i32
    %dma_wait3A_141 = tpu.memref_slice %arg15[%dma_wait3A_139, %dma_wait3A_140] : memref<10240x128xf32, #tpu.memory_space<vmem_shared>> -> memref<10240x128xf32, #tpu.memory_space<vmem_shared>>
    tpu.wait_indirect_dma semaphore(%arg14 : memref<!tpu.dma_semaphore, #tpu.memory_space<semaphore_mem>>) src(%arg10 : memref<128x128xf32, #tpu.memory_space<vmem>>) dst(%dma_wait3A_141 : memref<10240x128xf32, #tpu.memory_space<vmem_shared>>)
    %barrier3A_142 = arith.constant 0 : index
    tpu.barrier barrier_id(%barrier3A_142)
    %mul3A_143 = arith.constant 640 : i32
    %mul3A_144 = arith.muli %arg1, %mul3A_143 : i32
    %mul3A_145 = arith.constant 10240 : i32
    %mul3A_146 = arith.muli %arg0, %mul3A_145 : i32
    %mul3A_147 = arith.constant 640 : i32
    %mul3A_148 = arith.muli %arg1, %mul3A_147 : i32
    %add3A_149 = arith.addi %mul3A_146, %mul3A_148 : i32
    "tpu.region"() ({
      %run_scoped3A = tpu.sem_alloc : memref<!tpu.dma_semaphore, #tpu.memory_space<semaphore_mem>>
      %dma_start3A_150 = arith.constant 0 : i32
      %dma_start3A_151 = tpu.memref_slice %arg6[%add3A_149, %dma_start3A_150] : memref<20480x128xf32, #tpu.memory_space<hbm>> -> memref<640x128xf32, #tpu.memory_space<hbm>>
      %dma_start3A_152 = arith.constant 0 : i32
      %dma_start3A_153 = tpu.memref_slice %arg15[%mul3A_144, %dma_start3A_152] : memref<10240x128xf32, #tpu.memory_space<vmem_shared>> -> memref<640x128xf32, #tpu.memory_space<vmem_shared>>
      tpu.enqueue_dma source(%dma_start3A_153 : memref<640x128xf32, #tpu.memory_space<vmem_shared>>) target(%dma_start3A_151 : memref<640x128xf32, #tpu.memory_space<hbm>>) target_semaphore(%run_scoped3A : memref<!tpu.dma_semaphore, #tpu.memory_space<semaphore_mem>>)
      %dma_wait3A_154 = arith.constant 0 : i32
      %dma_wait3A_155 = tpu.memref_slice %arg6[%add3A_149, %dma_wait3A_154] : memref<20480x128xf32, #tpu.memory_space<hbm>> -> memref<640x128xf32, #tpu.memory_space<hbm>>
      %dma_wait3A_156 = arith.constant 0 : i32
      %dma_wait3A_157 = tpu.memref_slice %arg15[%mul3A_144, %dma_wait3A_156] : memref<10240x128xf32, #tpu.memory_space<vmem_shared>> -> memref<640x128xf32, #tpu.memory_space<vmem_shared>>
      tpu.wait_dma2 semaphore(%run_scoped3A : memref<!tpu.dma_semaphore, #tpu.memory_space<semaphore_mem>>) src(%dma_wait3A_157 : memref<640x128xf32, #tpu.memory_space<vmem_shared>>) dst(%dma_wait3A_155 : memref<640x128xf32, #tpu.memory_space<hbm>>)
      tpu.yield
    }) : () -> ()
    return
  }
}

module attributes {stable_mosaic.version = 14 : i64} {
  func.func @_tc1_body(%arg0: memref<20480x128xf32, #tpu.memory_space<vmem>>, %arg1: memref<10000x128xf32, #tpu.memory_space<vmem>>, %arg2: memref<10240x128xf32, #tpu.memory_space<vmem>>) attributes {dimension_semantics = [], scalar_prefetch = 0 : i64, scratch_operands = 0 : i64, tpu.core_type = #tpu.core_type<tc>} {
    %get3A = arith.constant 0 : index
    %get3A_0 = arith.constant 0 : index
    %get3A_1 = vector.load %arg0[%get3A, %get3A_0] : memref<20480x128xf32, #tpu.memory_space<vmem>>, vector<10000x1xf32>
    %get3A_2 = arith.constant 10240 : index
    %get3A_3 = arith.constant 0 : index
    %get3A_4 = vector.load %arg0[%get3A_2, %get3A_3] : memref<20480x128xf32, #tpu.memory_space<vmem>>, vector<10000x1xf32>
    %add3A = arith.addf %get3A_1, %get3A_4 : vector<10000x1xf32>
    %add3A_5 = arith.constant 1.000000e+00 : f32
    %add3A_6 = vector.broadcast %add3A_5 : f32 to vector<10000x1xf32>
    %add3A_7 = arith.addf %add3A, %add3A_6 : vector<10000x1xf32>
    %rsqrt3A = math.rsqrt %add3A_7 : vector<10000x1xf32>
    %get3A_8 = arith.constant 0 : index
    %get3A_9 = arith.constant 0 : index
    %get3A_10 = vector.load %arg1[%get3A_8, %get3A_9] : memref<10000x128xf32, #tpu.memory_space<vmem>>, vector<10000x128xf32>
    %mul3A = vector.broadcast %rsqrt3A : vector<10000x1xf32> to vector<10000x128xf32>
    %mul3A_11 = arith.mulf %get3A_10, %mul3A : vector<10000x128xf32>
    %swap3A = arith.constant 0 : index
    %swap3A_12 = arith.constant 0 : index
    %swap3A_13 = vector.load %arg2[%swap3A, %swap3A_12] : memref<10240x128xf32, #tpu.memory_space<vmem>>, vector<10000x128xf32>
    tpu.vector_store %arg2[%swap3A, %swap3A_12], %mul3A_11 {strides = array<i32>} : memref<10240x128xf32, #tpu.memory_space<vmem>>, vector<10000x128xf32>,
    %broadcast_in_dim3A = arith.constant 0.000000e+00 : f32
    %broadcast_in_dim3A_14 = vector.broadcast %broadcast_in_dim3A : f32 to vector<240x128xf32>
    %swap3A_15 = arith.constant 10000 : index
    %swap3A_16 = arith.constant 0 : index
    %swap3A_17 = vector.load %arg2[%swap3A_15, %swap3A_16] : memref<10240x128xf32, #tpu.memory_space<vmem>>, vector<240x128xf32>
    tpu.vector_store %arg2[%swap3A_15, %swap3A_16], %broadcast_in_dim3A_14 {strides = array<i32>} : memref<10240x128xf32, #tpu.memory_space<vmem>>, vector<240x128xf32>,
    return
  }
}

module attributes {stable_mosaic.version = 14 : i64} {
  func.func @_tc3_body(%arg0: memref<20480x128xf32, #tpu.memory_space<vmem>>, %arg1: memref<20480x128xf32, #tpu.memory_space<vmem>>, %arg2: memref<10000x128xf32, #tpu.memory_space<vmem>>, %arg3: memref<128x128xf32, #tpu.memory_space<vmem>>, %arg4: memref<1x128xf32, #tpu.memory_space<vmem>>, %arg5: memref<10000x128xf32, #tpu.memory_space<vmem>>) attributes {dimension_semantics = [], scalar_prefetch = 0 : i64, scratch_operands = 0 : i64, tpu.core_type = #tpu.core_type<tc>} {
    %get3A = arith.constant 0 : index
    %get3A_0 = arith.constant 0 : index
    %get3A_1 = vector.load %arg1[%get3A, %get3A_0] : memref<20480x128xf32, #tpu.memory_space<vmem>>, vector<10000x1xf32>
    %get3A_2 = arith.constant 10240 : index
    %get3A_3 = arith.constant 0 : index
    %get3A_4 = vector.load %arg1[%get3A_2, %get3A_3] : memref<20480x128xf32, #tpu.memory_space<vmem>>, vector<10000x1xf32>
    %add3A = arith.addf %get3A_1, %get3A_4 : vector<10000x1xf32>
    %add3A_5 = arith.constant 1.000000e+00 : f32
    %add3A_6 = vector.broadcast %add3A_5 : f32 to vector<10000x1xf32>
    %add3A_7 = arith.addf %add3A, %add3A_6 : vector<10000x1xf32>
    %rsqrt3A = math.rsqrt %add3A_7 : vector<10000x1xf32>
    %get3A_8 = arith.constant 0 : index
    %get3A_9 = arith.constant 0 : index
    %get3A_10 = vector.load %arg0[%get3A_8, %get3A_9] : memref<20480x128xf32, #tpu.memory_space<vmem>>, vector<10000x128xf32>
    %get3A_11 = arith.constant 10240 : index
    %get3A_12 = arith.constant 0 : index
    %get3A_13 = vector.load %arg0[%get3A_11, %get3A_12] : memref<20480x128xf32, #tpu.memory_space<vmem>>, vector<10000x128xf32>
    %add3A_14 = arith.addf %get3A_10, %get3A_13 : vector<10000x128xf32>
    %mul3A = vector.broadcast %rsqrt3A : vector<10000x1xf32> to vector<10000x128xf32>
    %mul3A_15 = arith.mulf %mul3A, %add3A_14 : vector<10000x128xf32>
    %mul3A_16 = arith.mulf %rsqrt3A, %rsqrt3A : vector<10000x1xf32>
    %get3A_17 = arith.constant 0 : index
    %get3A_18 = arith.constant 0 : index
    %get3A_19 = vector.load %arg2[%get3A_17, %get3A_18] : memref<10000x128xf32, #tpu.memory_space<vmem>>, vector<10000x128xf32>
    %mul3A_20 = vector.broadcast %mul3A_16 : vector<10000x1xf32> to vector<10000x128xf32>
    %mul3A_21 = arith.mulf %mul3A_20, %get3A_19 : vector<10000x128xf32>
    %add3A_22 = arith.addf %mul3A_15, %mul3A_21 : vector<10000x128xf32>
    %get3A_23 = arith.constant 0 : index
    %get3A_24 = arith.constant 0 : index
    %get3A_25 = vector.load %arg3[%get3A_23, %get3A_24] : memref<128x128xf32, #tpu.memory_space<vmem>>, vector<128x128xf32>
    %dot_general3A = arith.constant dense<0.000000e+00> : vector<10000x128xf32>
    %dot_general3A_26 = tpu.matmul %add3A_22, %get3A_25, %dot_general3A {dimension_numbers = #tpu.dot_dimension_numbers<[1], [0], [0], [1], [0, 0, 1, 1], [], []>, transpose_lhs_hint = false} : vector<10000x128xf32>, vector<128x128xf32>, vector<10000x128xf32> -> vector<10000x128xf32>
    %get3A_27 = arith.constant 0 : index
    %get3A_28 = arith.constant 0 : index
    %get3A_29 = vector.load %arg4[%get3A_27, %get3A_28] : memref<1x128xf32, #tpu.memory_space<vmem>>, vector<1x128xf32>
    %add3A_30 = vector.broadcast %get3A_29 : vector<1x128xf32> to vector<10000x128xf32>
    %add3A_31 = arith.addf %dot_general3A_26, %add3A_30 : vector<10000x128xf32>
    %reduce_max3A = arith.constant dense<0xFF800000> : vector<10000xf32>
    %reduce_max3A_32 = vector.multi_reduction <maximumf>, %add3A_31, %reduce_max3A [1] : vector<10000x128xf32> to vector<10000xf32>
    %broadcast_in_dim3A = vector.shape_cast %reduce_max3A_32 : vector<10000xf32> to vector<10000x1xf32>
    %sub3A = vector.broadcast %broadcast_in_dim3A : vector<10000x1xf32> to vector<10000x128xf32>
    %sub3A_33 = arith.subf %add3A_31, %sub3A : vector<10000x128xf32>
    %exp3A = math.exp %sub3A_33 : vector<10000x128xf32>
    %reduce_sum3A = arith.constant dense<0.000000e+00> : vector<10000xf32>
    %reduce_sum3A_34 = vector.multi_reduction <add>, %exp3A, %reduce_sum3A [1] : vector<10000x128xf32> to vector<10000xf32>
    %broadcast_in_dim3A_35 = vector.shape_cast %reduce_sum3A_34 : vector<10000xf32> to vector<10000x1xf32>
    %log3A = math.log %broadcast_in_dim3A_35 : vector<10000x1xf32>
    %sub3A_36 = vector.broadcast %log3A : vector<10000x1xf32> to vector<10000x128xf32>
    %sub3A_37 = arith.subf %sub3A_33, %sub3A_36 : vector<10000x128xf32>
    %swap3A = arith.constant 0 : index
    %swap3A_38 = arith.constant 0 : index
    %swap3A_39 = vector.load %arg5[%swap3A, %swap3A_38] : memref<10000x128xf32, #tpu.memory_space<vmem>>, vector<10000x128xf32>
    tpu.vector_store %arg5[%swap3A, %swap3A_38], %sub3A_37 {strides = array<i32>} : memref<10000x128xf32, #tpu.memory_space<vmem>>, vector<10000x128xf32>,
    return
  }
}

module attributes {stable_mosaic.version = 14 : i64} {
  func.func @_tc2_body(%arg0: memref<20480x128xf32, #tpu.memory_space<vmem>>, %arg1: memref<20480x128xf32, #tpu.memory_space<vmem>>, %arg2: memref<10000x128xf32, #tpu.memory_space<vmem>>, %arg3: memref<128x128xf32, #tpu.memory_space<vmem>>, %arg4: memref<1x128xf32, #tpu.memory_space<vmem>>, %arg5: memref<10000x128xf32, #tpu.memory_space<vmem>>, %arg6: memref<10240x128xf32, #tpu.memory_space<vmem>>) attributes {dimension_semantics = [], scalar_prefetch = 0 : i64, scratch_operands = 0 : i64, tpu.core_type = #tpu.core_type<tc>} {
    %get3A = arith.constant 0 : index
    %get3A_0 = arith.constant 0 : index
    %get3A_1 = vector.load %arg1[%get3A, %get3A_0] : memref<20480x128xf32, #tpu.memory_space<vmem>>, vector<10000x1xf32>
    %get3A_2 = arith.constant 10240 : index
    %get3A_3 = arith.constant 0 : index
    %get3A_4 = vector.load %arg1[%get3A_2, %get3A_3] : memref<20480x128xf32, #tpu.memory_space<vmem>>, vector<10000x1xf32>
    %add3A = arith.addf %get3A_1, %get3A_4 : vector<10000x1xf32>
    %add3A_5 = arith.constant 1.000000e+00 : f32
    %add3A_6 = vector.broadcast %add3A_5 : f32 to vector<10000x1xf32>
    %add3A_7 = arith.addf %add3A, %add3A_6 : vector<10000x1xf32>
    %rsqrt3A = math.rsqrt %add3A_7 : vector<10000x1xf32>
    %get3A_8 = arith.constant 0 : index
    %get3A_9 = arith.constant 0 : index
    %get3A_10 = vector.load %arg0[%get3A_8, %get3A_9] : memref<20480x128xf32, #tpu.memory_space<vmem>>, vector<10000x128xf32>
    %get3A_11 = arith.constant 10240 : index
    %get3A_12 = arith.constant 0 : index
    %get3A_13 = vector.load %arg0[%get3A_11, %get3A_12] : memref<20480x128xf32, #tpu.memory_space<vmem>>, vector<10000x128xf32>
    %add3A_14 = arith.addf %get3A_10, %get3A_13 : vector<10000x128xf32>
    %mul3A = vector.broadcast %rsqrt3A : vector<10000x1xf32> to vector<10000x128xf32>
    %mul3A_15 = arith.mulf %mul3A, %add3A_14 : vector<10000x128xf32>
    %mul3A_16 = arith.mulf %rsqrt3A, %rsqrt3A : vector<10000x1xf32>
    %get3A_17 = arith.constant 0 : index
    %get3A_18 = arith.constant 0 : index
    %get3A_19 = vector.load %arg2[%get3A_17, %get3A_18] : memref<10000x128xf32, #tpu.memory_space<vmem>>, vector<10000x128xf32>
    %mul3A_20 = vector.broadcast %mul3A_16 : vector<10000x1xf32> to vector<10000x128xf32>
    %mul3A_21 = arith.mulf %mul3A_20, %get3A_19 : vector<10000x128xf32>
    %add3A_22 = arith.addf %mul3A_15, %mul3A_21 : vector<10000x128xf32>
    %get3A_23 = arith.constant 0 : index
    %get3A_24 = arith.constant 0 : index
    %get3A_25 = vector.load %arg3[%get3A_23, %get3A_24] : memref<128x128xf32, #tpu.memory_space<vmem>>, vector<128x128xf32>
    %dot_general3A = arith.constant dense<0.000000e+00> : vector<10000x128xf32>
    %dot_general3A_26 = tpu.matmul %add3A_22, %get3A_25, %dot_general3A {dimension_numbers = #tpu.dot_dimension_numbers<[1], [0], [0], [1], [0, 0, 1, 1], [], []>, transpose_lhs_hint = false} : vector<10000x128xf32>, vector<128x128xf32>, vector<10000x128xf32> -> vector<10000x128xf32>
    %get3A_27 = arith.constant 0 : index
    %get3A_28 = arith.constant 0 : index
    %get3A_29 = vector.load %arg4[%get3A_27, %get3A_28] : memref<1x128xf32, #tpu.memory_space<vmem>>, vector<1x128xf32>
    %add3A_30 = vector.broadcast %get3A_29 : vector<1x128xf32> to vector<10000x128xf32>
    %add3A_31 = arith.addf %dot_general3A_26, %add3A_30 : vector<10000x128xf32>
    %max3A = arith.constant 0.000000e+00 : f32
    %max3A_32 = vector.broadcast %max3A : f32 to vector<10000x128xf32>
    %max3A_33 = arith.maximumf %add3A_31, %max3A_32 : vector<10000x128xf32>
    %swap3A = arith.constant 0 : index
    %swap3A_34 = arith.constant 0 : index
    %swap3A_35 = vector.load %arg5[%swap3A, %swap3A_34] : memref<10000x128xf32, #tpu.memory_space<vmem>>, vector<10000x128xf32>
    tpu.vector_store %arg5[%swap3A, %swap3A_34], %max3A_33 {strides = array<i32>} : memref<10000x128xf32, #tpu.memory_space<vmem>>, vector<10000x128xf32>,
    %mul3A_36 = vector.broadcast %rsqrt3A : vector<10000x1xf32> to vector<10000x128xf32>
    %mul3A_37 = arith.mulf %max3A_33, %mul3A_36 : vector<10000x128xf32>
    %swap3A_38 = arith.constant 0 : index
    %swap3A_39 = arith.constant 0 : index
    %swap3A_40 = vector.load %arg6[%swap3A_38, %swap3A_39] : memref<10240x128xf32, #tpu.memory_space<vmem>>, vector<10000x128xf32>
    tpu.vector_store %arg6[%swap3A_38, %swap3A_39], %mul3A_37 {strides = array<i32>} : memref<10240x128xf32, #tpu.memory_space<vmem>>, vector<10000x128xf32>,
    %broadcast_in_dim3A = arith.constant 0.000000e+00 : f32
    %broadcast_in_dim3A_41 = vector.broadcast %broadcast_in_dim3A : f32 to vector<240x128xf32>
    %swap3A_42 = arith.constant 10000 : index
    %swap3A_43 = arith.constant 0 : index
    %swap3A_44 = vector.load %arg6[%swap3A_42, %swap3A_43] : memref<10240x128xf32, #tpu.memory_space<vmem>>, vector<240x128xf32>
    tpu.vector_store %arg6[%swap3A_42, %swap3A_43], %broadcast_in_dim3A_41 {strides = array<i32>} : memref<10240x128xf32, #tpu.memory_space<vmem>>, vector<240x128xf32>,
    return
  }
}

</mosaic_0001>

<sc_bundles>
// kernel: kernel.11.cloned.1.call-start
scs
__scs_entry_jumppad:
0x0: {  	(pc) =	sbr.rel $0x88, $3  }
0x1: {  	(tag) =	ssettag $0x0;
	lr =	simm.s32 $0x1  }
0x2: {  	[smem:$0x3F9B] =	sst lr;
	_ =	strace $0xD0000000  }
0x3: {  	_ = 	snop  }
0x4: {  	_ = 	snop  }
0x5: {  	_ = 	snop  }
0x6: {  	_ = 	snop  }
0x7: {  	_ = 	snop  }
__scs_overlays_trampoline_lowered:
0x8: {  	[smem:$0x3FAA] =	sst s0  }
0x9: {  	[smem:$0x3FAB] =	sst s1  }
0xa: {  	[smem:$0x3FAC] =	sst s2  }
0xb: {  	[smem:$0x3FAD] =	sst s3  }
0xc: {  	[smem:$0x3FAE] =	sst s4  }
0xd: {  	[smem:$0x3FAF] =	sst s5  }
0xe: {  	[smem:$0x3FB0] =	sst s6  }
0xf: {  	[smem:$0x3FB1] =	sst s7  }
0x10: {  	[smem:$0x3FB2] =	sst s8  }
0x11: {  	[smem:$0x3FB3] =	sst s9;
	s0 =	simm.s32 @!p0 $0x0  }
0x12: {  	s1 =	sld [smem:$0x3F99];
	s0 =	simm.s32 @p0 $0x1  }
0x13: {  	[smem:$0x3FB4] =	sst s0;
	s0 =	simm.s32 @!p1 $0x0  }
0x14: {  	s2 =	sld [smem:$0x3F98];
	s0 =	simm.s32 @p1 $0x1  }
0x15: {  	[smem:$0x3FB5] =	sst s0;
	s0 =	simm.s32 @!p2 $0x0  }
0x16: {  	s3 =	sld [smem:$0x3FDB];
	s0 =	simm.s32 @p2 $0x1  }
0x17: {  	s4 =	simm.s32 $0x1BF5;
	[smem:$0x3FB7] =	sst s0  }
0x18: {  	s0 =	sld [smem:$0x3F9A];
	_ =	swait.ge [sflag:s4], $0x0  }
0x19: {  	s7 =	sld [smem:$0x3F9B]  }
0x1a: {  	s8 =	sadd.s32 $0xFFFFE003, lr  }
0x1b: {  	s9 =	sadd.s32 $0xFFFFFEF7, lr;
	s5 =	simm.s32 $0xFFFFFFFF;
	p2 =	slt.u32 s8, $0xFFFFF086  }
0x1c: {  	p1 =	slt.u32 s9, $0xF7A;
	s5 =	simm.s32 @!p2 $0x0  }
0x1d: {  	s5 =	simm.s32 @p1 $0x1;
	p0 =	seq.s32 s7, s2  }
0x1e: {  	s7 =	smul.u32 @!p0 $0xF7A, s2;
	p2 =	seq.s32 @!p0 s5, $0x0  }
0x1f: {  	s9 =	smul.u32 $0xF7A, s1;
	s8 =	simm.s32 @!p0 $0x1BF5;
	p2 =	por !p2, p0  }
0x20: {  	[sflag:s8] =	ssyncset.s32 @!p0 $0xFFFFF086;
	s6 =	sadd.s32 @!p0 s3, s7;
	s7 =	simm.s32 @!p0 $0x108  }
0x21: {  	s3 =	sadd.s32 s3, s9;
	s6 =	sadd.s32 @!p0 $0x88, s6;
	s7 =	simm.s32 @p2 $0x1082  }
0x22: {  	[simem:s7], [sflag:s8] =	dma.local @!p0 [hbm:s6], $0xF7A  }
0x23: {  	s9 =	sor.u32 $0xD0000000, s2;
	s6 =	simm.s32 $0x108;
	_ =	swait.ge @!p0 [sflag:s8], $0x0  }
0x24: {  	s3 =	sadd.s32 $0x88, s3;
	s6 =	simm.s32 @!p1 $0x1082;
	[sflag:s4] =	ssyncset.s32 $0xFFFFF086  }
0x25: {  	[simem:s6], [sflag:s4] =	dma.local [hbm:s3], $0xF7A  }
0x26: {  	[smem:$0x3F9B] =	sst s1;
	(tag) =	ssettag s2;
	_ =	strace s9  }
0x27: {  	s1 =	sld [smem:$0x3FAB]  }
0x28: {  	s2 =	sld [smem:$0x3FAC]  }
0x29: {  	s4 =	sld [smem:$0x3FAE]  }
0x2a: {  	p0 =	seq.s32 s5, $0x0;
	s5 =	sld [smem:$0x3FAF]  }
0x2b: {  	s6 =	sld [smem:$0x3FB0]  }
0x2c: {  	s7 =	sld [smem:$0x3FB1]  }
0x2d: {  	s3 =	simm.s32 $0x108;
	s8 =	sld [smem:$0x3FB2]  }
0x2e: {  	s3 =	simm.s32 @!p0 $0x1082;
	s9 =	sld [smem:$0x3FB3]  }
0x2f: {  	lr =	sadd.s32 s0, s3;
	s0 =	sld [smem:$0x3FAA]  }
0x30: {  	s3 =	sld [smem:$0x3FAD]  }
0x31: {  	[smem:$0x3FB6] =	sst s10  }
0x32: {  	s10 =	sld [smem:$0x3FB4];
	_ =	sdelay $0x3  }
0x33: {  	p0 =	seq.s32 s10, $0x1;
	s10 =	sld [smem:$0x3FB6];
	_ =	sdelay $0x3  }
0x34: {  	[smem:$0x3FB6] =	sst s10  }
0x35: {  	s10 =	sld [smem:$0x3FB5];
	_ =	sdelay $0x3  }
0x36: {  	p1 =	seq.s32 s10, $0x1;
	s10 =	sld [smem:$0x3FB6];
	_ =	sdelay $0x3  }
0x37: {  	[smem:$0x3FB6] =	sst s10  }
0x38: {  	s10 =	sld [smem:$0x3FB7]  }
0x39: {  	_ = 	snop;
	(pc) =	sbr.ind lr, $3  }
0x3a: {  	_ = 	snop  }
0x3b: {  	_ = 	snop  }
0x3c: {  	p2 =	seq.s32 s10, $0x1;
	s10 =	sld [smem:$0x3FB6]  }
0x3d: {  	_ =	shalt  }
0x3e: {  	_ =	shalt  }
0x3f: {  	_ =	shalt  }
0x40: {  	_ =	shalt  }
0x41: {  	_ =	shalt  }
0x42: {  	_ =	shalt  }
0x43: {  	_ =	shalt  }
0x44: {  	_ =	shalt  }
0x45: {  	_ =	shalt  }
0x46: {  	_ =	shalt  }
0x47: {  	_ =	shalt  }
0x48: {  	_ =	shalt  }
0x49: {  	_ =	shalt  }
0x4a: {  	_ =	shalt  }
0x4b: {  	_ =	shalt  }
0x4c: {  	_ =	shalt  }
0x4d: {  	_ =	shalt  }
0x4e: {  	_ =	shalt  }
0x4f: {  	_ =	shalt  }
0x50: {  	_ =	shalt  }
0x51: {  	_ =	shalt  }
0x52: {  	_ =	shalt  }
0x53: {  	_ =	shalt  }
0x54: {  	_ =	shalt  }
0x55: {  	_ =	shalt  }
0x56: {  	_ =	shalt  }
0x57: {  	_ =	shalt  }
0x58: {  	_ =	shalt  }
0x59: {  	_ =	shalt  }
0x5a: {  	_ =	shalt  }
0x5b: {  	_ =	shalt  }
0x5c: {  	_ =	shalt  }
0x5d: {  	_ =	shalt  }
0x5e: {  	_ =	shalt  }
0x5f: {  	_ =	shalt  }
0x60: {  	_ =	shalt  }
0x61: {  	_ =	shalt  }
0x62: {  	_ =	shalt  }
0x63: {  	_ =	shalt  }
0x64: {  	_ =	shalt  }
0x65: {  	_ =	shalt  }
0x66: {  	_ =	shalt  }
0x67: {  	_ =	shalt  }
0x68: {  	_ =	shalt  }
0x69: {  	_ =	shalt  }
0x6a: {  	_ =	shalt  }
0x6b: {  	_ =	shalt  }
0x6c: {  	_ =	shalt  }
0x6d: {  	_ =	shalt  }
0x6e: {  	_ =	shalt  }
0x6f: {  	_ =	shalt  }
0x70: {  	_ =	shalt  }
0x71: {  	_ =	shalt  }
0x72: {  	_ =	shalt  }
0x73: {  	_ =	shalt  }
0x74: {  	_ =	shalt  }
0x75: {  	_ =	shalt  }
0x76: {  	_ =	shalt  }
0x77: {  	_ =	shalt  }
0x78: {  	_ =	shalt  }
0x79: {  	_ =	shalt  }
0x7a: {  	_ =	shalt  }
0x7b: {  	_ =	shalt  }
0x7c: {  	_ =	shalt  }
0x7d: {  	_ =	shalt  }
0x7e: {  	_ =	shalt  }
0x7f: {  	_ =	shalt  }
0x80: {  	_ =	shalt  }
0x81: {  	_ =	shalt  }
0x82: {  	_ =	shalt  }
0x83: {  	_ =	shalt  }
0x84: {  	_ =	shalt  }
0x85: {  	_ =	shalt  }
0x86: {  	_ =	shalt  }
0x87: {  	_ =	shalt  }
.Lfunc_end0:
.L_simem_size_0:
called_computation.1_lowered:
.L_overlay_start_0:
0x88: {  	s2 =	sld [smem:$0x3FD9]  }
0x89: {  	s3 =	sld [smem:$0x3FFE];
	_ =	sdelay $0x1  }
0x8a: {  	s1 =	srdreg.scid  }
0x8b: {  	s0 =	sand.u32 $0x1, s1  }
0x8c: {  	s17 =	sshll.u32 s0, $0xA;
	s2 =	sadd.s32 s3, s2  }
0x8d: {  	s2 =	sadd.s32 s2, s17  }
0x8e: {  	[smem:$0x3FC2] =	sst s2  }
0x8f: {  	_ = 	snop  }
0x90: {  	s2 =	sld [smem:$0x3FD0];
	(tm) =	ssettm $0x1  }
0x91: {  	s18 =	sld [smem:$0x3FFB];
	_ =	sdelay $0x3  }
0x92: {  	_ =	strace s18  }
0x93: {  	s3 =	sld [smem:$0x3FFC];
	_ =	sdelay $0x3  }
0x94: {  	_ =	strace s3  }
0x95: {  	s3 =	sld [smem:$0x3FFD];
	_ =	sdelay $0x3  }
0x96: {  	_ =	strace s3  }
0x97: {  	_ =	strace $0x8FFFFFFF  }
0x98: {  	s19 =	sld [smem:$0x3FDB];
	_ =	sdelay $0x1  }
0x99: {  	s4 =	simm.s32 $_scs_section_size  }
0x9a: {  	s5 =	simm.s32 $_size__tile_overlayer_lowered;
	s6 =	simm.s32 $_tile_overlayer_lowered  }
0x9b: {  	s22 =	simm.s32 $0x1BFF;
	s21 =	sshll.u32 s6, $0x1;
	s3 =	sadd.s32 s4, s19  }
0x9c: {  	s7 =	simm.s32 $0x0;
	s20 =	sshll.u32 s5, $0x1;
	s5 =	sadd.s32 s21, s3  }
0x9d: {  	[timem:s7], [sflag:s22] =	dma.local [hbm:s5], s20  }
0x9e: {  	_ =	swait.ge [sflag:s22], s20  }
0x9f: {  	s4 =	ssub.s32 $0x0, s20;
	[sflag:s22] =	ssyncset.done $0x0  }
0xa0: {  	[sflag:s22] =	ssyncadd.s32 s4;
	_ =	sdelay $0x1  }
0xa1: {  	s23 =	simm.s32 $0x1B8B  }
0xa2: {  	_ =	swait.ge [sflag:s23], $0x1  }
0xa3: {  	[sflag:s23] =	ssyncset.done $0x0  }
0xa4: {  	s25 =	simm.s32 $0x1B8E;
	s24 =	sld [smem:$0x3FFE];
	[sflag:s23] =	ssyncadd.s32 $0xFFFFFFFF  }
0xa5: {  	s26 =	simm.s32 $execute0_lowered;
	[smem:$0x3FD2] =	sst s25  }
0xa6: {  	s5 =	sshll.u32 s26, $0x1;
	_ =	strace $0x80000049;
	[dreg:$0x1] =	wrdreg $0xFFFFFFFF  }
0xa7: {  	s28 =	simm.s32 $_size_execute0_lowered;
	s3 =	sadd.s32 s3, s5;
	[dreg:$0x0] =	wrdreg $0x0  }
0xa8: {  	s5 =	sshll.u32 s28, $0x1;
	[dreg:$0x2] =	wrdreg s3  }
0xa9: {  	[dreg:$0x3] =	wrdreg s5  }
0xaa: {  	[dreg:$0x4] =	wrdreg $0xC0  }
0xab: {  	_ =	task [dreg:s7], $0x5FFFF  }
0xac: {  	[dreg:$0x1] =	wrdreg $0xFFFFFFFF  }
0xad: {  	[dreg:$0x0] =	wrdreg $0x60  }
0xae: {  	[dreg:$0x2] =	wrdreg s24  }
0xaf: {  	[dreg:$0x3] =	wrdreg s2  }
0xb0: {  	[dreg:$0x4] =	wrdreg $0xA8000  }
0xb1: {  	[dreg:$0x5] =	wrdreg $0x9  }
0xb2: {  	_ =	task.clear_ibuf [dreg:s7], $0x6FFFF;
	_ =	strace $0x90000049  }
0xb3: {  	s29 =	simm.s32 $0x9;
	_ =	strace $0x8000004B  }
0xb4: {  	_ =	swait.ge [sflag:s29], $0x1  }
0xb5: {  	[sflag:s29] =	ssyncadd.s32 $0xFFFFFFFF  }
0xb6: {  	_ =	strace $0x9000004B  }
0xb7: {  	_ =	sfence  }
0xb8: {  	s30 =	sld [smem:$0x0];
	_ =	sdelay $0x2  }
0xb9: {  	s31 =	sshll.u32 s1, $0xD;
	s1 =	sshrl.u32 s1, $0x2  }
0xba: {  	s3 =	sand.u32 $0x4000, s31;
	s1 =	sadd.s32 s1, s30  }
0xbb: {  	s0 =	sor.u32 s3, s0;
	s1 =	sshll.u32 s1, $0x11  }
0xbc: {  	s0 =	sor.u32 s1, s0  }
0xbd: {  	s0 =	sadd.s32 $0x8F2B, s0  }
0xbe: {  	[sflag:s0] =	ssyncadd.remote.s32 $0x1  }
0xbf: {  	_ =	sfence.sel $0xFFFF  }
0xc0: {  	[dreg:$0x0] =	wrdreg $0xFFFFFFFF;
	(pc) =	sbr.abs _section_cstart, $3  }
0xc1: {  	[dreg:$0x1] =	wrdreg $0xFFFFFFFF  }
0xc2: {  	_ =	task.clear_ibuf [dreg:s7], $0x2FFFF;
	_ =	strace $0x9FFFFFFF  }
0xc3: {  	(tm) =	ssettm $0x7FFFFFFF  }
tec
execute0_lowered:
.L_overlay_start_1:
0x0: {  	(tag) =	ssettag $0x1  }
0x1: {  	s5 =	rddreg [dreg:$0x0]  }
0x2: {  	s10 =	rddreg [dreg:$0x1]  }
0x3: {  	s2 =	rddreg [dreg:$0x2]  }
0x4: {  	s0 =	rddreg [dreg:$0x3]  }
0x5: {  	s1 =	stileid.u32;
	s4 =	srdreg.scid;
	s3 =	simm.s32 $0x0  }
0x6: {  	s16 =	simm.s32 $0x80;
	s17 =	simm.s32 $0x2800;
	s18 =	simm.s32 $0x6800  }
0x7: {  	s19 =	simm.s32 $0x1;
	s20 =	simm.s32 $0x2;
	s21 =	simm.s32 $0x3  }
0x8: {  	s22 =	simm.s32 $0x4;
	s23 =	simm.s32 $0x2700;
	s6 =	smul.u32 $0x2800, s1  }
0x9: {  	s7 =	sand.u32 $0x1, s4;
	[smem:$0x7FF] =	sst s3;
	s4 =	sadd.s32 $0x84600, s5  }
0xa: {  	s9 =	sadd.s32 $0x7A600, s5;
	s24 =	smul.u32 $0x50000, s1;
	s13 =	sshll.u32 s1, $0x1  }
0xb: {  	s30 =	sshll.u32 s1, $0x6;
	s8 =	smul.u32 $0x28000, s7;
	_ =	strace $0x8000004A  }
0xc: {  	s12 =	sshll.u32 s7, $0x5;
	s25 =	ssub.s32 $0x2, s7;
	s11 =	sadd.s32 s6, s5  }
0xd: {  	s26 =	sor.u32 s13, s12;
	s7 =	sshrl.u32 s25, $0x1;
	s6 =	sadd.s32 s6, s8  }
0xe: {  	s8 =	sshrl.u32 s24, $0x2;
	s12 =	smul.u32 $0x1400, s26;
	s28 =	ssub.s32 s25, s7  }
0xf: {  	s29 =	smul.u32 $0x280, s26;
	s24 =	simm.s32 $0x2780;
	s25 =	simm.s32 $0x0  }
0x10: {  	s14 =	sadd.s32 s6, s5;
	s15 =	sadd.s32 s8, s2;
	s5 =	sadd.s32 $0x2600, s11  }
0x11: {  	s6 =	sor.u32 $0x1C05, s30;
	s31 =	sshrl.u32 s12, $0x3;
	s7 =	sadd.s32 s9, s29  }
0x12: {  	s8 =	sadd.s32 s10, s29;
	s12 =	smax.u32 s28, $0x1;
	s11 =	sadd.s32 $0x280, s31  }
0x13: {  	s13 =	sshrl.u32 s15, $0x3;
	s15 =	simm.s32 $0x1400;
	s9 =	sadd.s32 s9, s11  }
0x14: {  	s10 =	sadd.s32 s10, s11;
	s11 =	sadd.s32 $0xAC600, s14;
	s14 =	simm.s32 $0x5  }
.LBB2_1:
0x15: {  	[spmem:s13], [sflag:s6] =	dma.local [hbm:s5], $0x2800  }
0x16: {  	_ =	swait.ge [sflag:s14], $0x2800  }
0x17: {  	[sflag:s14] =	ssyncset.done $0x0  }
0x18: {  	[sflag:s14] =	ssyncadd.s32 $0xFFFFD800  }
0x19: {  	[bflag:$0x0] =	sbarrier.arrive $0xFFFF  }
0x1a: {  	[tilespmem:s3], [sflag:$0x5] =	stream.linear.gather [hbm4b:s7+s3], $0x1400, $0x38;
	[tilespmem:$0x1E800] =	vst v63  }
0x1b: {  	_ =	swait.ge [sflag:s14], $0x1400  }
0x1c: {  	[sflag:s14] =	ssyncset.done $0x0  }
0x1d: {  	[sflag:s14] =	ssyncadd.s32 $0xFFFFEC00  }
0x1e: {  	[tilespmem:s15], [sflag:$0x5] =	stream.linear.gather [hbm4b:s8+s3], $0x1400, $0x38;
	[tilespmem:$0x1E800] =	vst v63  }
0x1f: {  	_ =	swait.ge [sflag:s14], $0x1400  }
0x20: {  	[sflag:s14] =	ssyncset.done $0x0  }
0x21: {  	[sflag:s14] =	ssyncadd.s32 $0xFFFFEC00  }
0x22: {  	[tilespmem:s17], [sflag:$0x1] =	stream.indirect.gather [hbm4b:s4+s16], $0x80, s3, s16, $0xb8;
	[tilespmem:$0x1E800] =	vst v63  }
0x23: {  	_ = 	snop  }
0x24: {  	[tilespmem:s18], [sflag:$0x2] =	stream.indirect.gather [hbm4b:s4+s16], $0x80, s16, s16, $0xb8;
	[tilespmem:$0x1E800] =	vst v63  }
0x25: {  	_ =	swait.ge [sflag:s19], $0x4000  }
0x26: {  	[sflag:s19] =	ssyncset.done $0x0  }
0x27: {  	s26 =	simm.s32 $0x1400;
	[sflag:s19] =	ssyncadd.s32 $0xFFFFC000  }
0x28: {  	[spmem:s2] =	stream.indirect.scatter.add.f32 [tilespmem:s17], [sflag:$0x3], $0x80, s26, s16, $0xb8;
	[tilespmem:$0x1E800] =	vst v63  }
0x29: {  	_ =	swait.ge [sflag:s20], $0x4000  }
0x2a: {  	[sflag:s20] =	ssyncset.done $0x0  }
0x2b: {  	s30 =	simm.s32 $0x1480;
	[sflag:s20] =	ssyncadd.s32 $0xFFFFC000  }
0x2c: {  	[spmem:s2] =	stream.indirect.scatter.add.f32 [tilespmem:s18], [sflag:$0x4], $0x80, s30, s16, $0xb8;
	[tilespmem:$0x1E800] =	vst v63  }
0x2d: {  	_ =	swait.ge [sflag:s21], $0x4000  }
0x2e: {  	[sflag:s21] =	ssyncset.done $0x0  }
0x2f: {  	s31 =	simm.s32 $0x100;
	[sflag:s21] =	ssyncadd.s32 $0xFFFFC000  }
0x30: {  	[tilespmem:s17], [sflag:$0x1] =	stream.indirect.gather [hbm4b:s4+s16], $0x80, s31, s16, $0xb8;
	[tilespmem:$0x1E800] =	vst v63  }
0x31: {  	_ =	swait.ge [sflag:s22], $0x4000  }
0x32: {  	[sflag:s22] =	ssyncset.done $0x0  }
0x33: {  	s28 =	simm.s32 $0x180;
	s26 =	simm.s32 $0x400;
	[sflag:s22] =	ssyncadd.s32 $0xFFFFC000  }
.LBB2_2:
0x34: {  	[tilespmem:s18], [sflag:$0x2] =	stream.indirect.gather [hbm4b:s4+s16], $0x80, s28, s16, $0xb8;
	[tilespmem:$0x1E800] =	vst v63  }
0x35: {  	s28 =	smov.u32 s26  }
0x36: {  	p0 =	sne.s32 s26, $0x4800;
	s26 =	sadd.s32 $0x400, s26;
	_ =	swait.ge [sflag:s19], $0x4000  }
0x37: {  	s28 =	sshra.s32 s28, $0x2;
	[sflag:s19] =	ssyncset.done $0x0  }
0x38: {  	s29 =	sadd.s32 $0x1400, s28;
	[sflag:s19] =	ssyncadd.s32 $0xFFFFC000  }
0x39: {  	[spmem:s2] =	stream.indirect.scatter.add.f32 [tilespmem:s17], [sflag:$0x3], $0x80, s29, s16, $0xb8;
	[tilespmem:$0x1E800] =	vst v63  }
0x3a: {  	_ =	swait.ge [sflag:s20], $0x4000  }
0x3b: {  	[sflag:s20] =	ssyncset.done $0x0  }
0x3c: {  	s29 =	sadd.s32 $0x1480, s28;
	[sflag:s20] =	ssyncadd.s32 $0xFFFFC000  }
0x3d: {  	[spmem:s2] =	stream.indirect.scatter.add.f32 [tilespmem:s18], [sflag:$0x4], $0x80, s29, s16, $0xb8;
	[tilespmem:$0x1E800] =	vst v63  }
0x3e: {  	_ =	swait.ge [sflag:s21], $0x4000  }
0x3f: {  	[sflag:s21] =	ssyncset.done $0x0  }
.Ltmp0:
0x40: {  	s29 =	sadd.s32 $0x100, s28;
	[sflag:s21] =	ssyncadd.s32 $0xFFFFC000;
	(pc) =	sbr.rel @p0 .LBB2_2-.Ltmp0, $4  }
0x41: {  	[tilespmem:s17], [sflag:$0x1] =	stream.indirect.gather [hbm4b:s4+s16], $0x80, s29, s16, $0xb8;
	[tilespmem:$0x1E800] =	vst v63  }
0x42: {  	_ =	swait.ge [sflag:s22], $0x4000  }
0x43: {  	[sflag:s22] =	ssyncset.done $0x0  }
0x44: {  	s28 =	sadd.s32 $0x180, s28;
	[sflag:s22] =	ssyncadd.s32 $0xFFFFC000  }
0x45: {  	[tilespmem:s18], [sflag:$0x2] =	stream.indirect.gather [hbm4b:s4+s16], $0x80, s28, s16, $0xb8;
	[tilespmem:$0x1E800] =	vst v63  }
0x46: {  	_ =	swait.ge [sflag:s19], $0x4000  }
0x47: {  	[sflag:s19] =	ssyncset.done $0x0  }
0x48: {  	[sflag:s19] =	ssyncadd.s32 $0xFFFFC000  }
0x49: {  	[spmem:s2] =	stream.indirect.scatter.add.f32 [tilespmem:s17], [sflag:$0x3], $0x80, s23, s16, $0xb8;
	[tilespmem:$0x1E800] =	vst v63  }
0x4a: {  	_ =	swait.ge [sflag:s20], $0x4000  }
0x4b: {  	[sflag:s20] =	ssyncset.done $0x0  }
0x4c: {  	[sflag:s20] =	ssyncadd.s32 $0xFFFFC000  }
0x4d: {  	[spmem:s2] =	stream.indirect.scatter.add.f32 [tilespmem:s18], [sflag:$0x4], $0x80, s24, s16, $0xb8;
	[tilespmem:$0x1E800] =	vst v63  }
0x4e: {  	_ =	swait.ge [sflag:s21], $0x4000  }
0x4f: {  	[sflag:s21] =	ssyncset.done $0x0  }
0x50: {  	[sflag:s21] =	ssyncadd.s32 $0xFFFFC000  }
0x51: {  	_ =	swait.ge [sflag:s22], $0x4000  }
0x52: {  	[sflag:s22] =	ssyncset.done $0x0  }
0x53: {  	s26 =	simm.s32 $0x0;
	[sflag:s22] =	ssyncadd.s32 $0xFFFFC000  }
0x54: {  	[tilespmem:s26], [sflag:$0x5] =	stream.linear.gather [hbm4b:s9+s26], $0x1400, $0x38;
	[tilespmem:$0x1E800] =	vst v63  }
0x55: {  	_ =	swait.ge [sflag:s14], $0x1400  }
0x56: {  	[sflag:s14] =	ssyncset.done $0x0  }
0x57: {  	[sflag:s14] =	ssyncadd.s32 $0xFFFFEC00  }
0x58: {  	[tilespmem:s15], [sflag:$0x5] =	stream.linear.gather [hbm4b:s10+s26], $0x1400, $0x38;
	[tilespmem:$0x1E800] =	vst v63  }
0x59: {  	_ =	swait.ge [sflag:s14], $0x1400  }
0x5a: {  	[sflag:s14] =	ssyncset.done $0x0  }
0x5b: {  	[sflag:s14] =	ssyncadd.s32 $0xFFFFEC00  }
0x5c: {  	[tilespmem:s17], [sflag:$0x1] =	stream.indirect.gather [hbm4b:s4+s16], $0x80, s26, s16, $0xb8;
	[tilespmem:$0x1E800] =	vst v63  }
0x5d: {  	_ = 	snop  }
0x5e: {  	[tilespmem:s18], [sflag:$0x2] =	stream.indirect.gather [hbm4b:s4+s16], $0x80, s16, s16, $0xb8;
	[tilespmem:$0x1E800] =	vst v63  }
0x5f: {  	_ =	swait.ge [sflag:s19], $0x4000  }
0x60: {  	[sflag:s19] =	ssyncset.done $0x0  }
0x61: {  	s29 =	simm.s32 $0x1400;
	[sflag:s19] =	ssyncadd.s32 $0xFFFFC000  }
0x62: {  	[spmem:s2] =	stream.indirect.scatter.add.f32 [tilespmem:s17], [sflag:$0x3], $0x80, s29, s16, $0xb8;
	[tilespmem:$0x1E800] =	vst v63  }
0x63: {  	_ =	swait.ge [sflag:s20], $0x4000  }
0x64: {  	[sflag:s20] =	ssyncset.done $0x0  }
0x65: {  	s30 =	simm.s32 $0x1480;
	[sflag:s20] =	ssyncadd.s32 $0xFFFFC000  }
0x66: {  	[spmem:s2] =	stream.indirect.scatter.add.f32 [tilespmem:s18], [sflag:$0x4], $0x80, s30, s16, $0xb8;
	[tilespmem:$0x1E800] =	vst v63  }
0x67: {  	_ =	swait.ge [sflag:s21], $0x4000  }
0x68: {  	[sflag:s21] =	ssyncset.done $0x0  }
0x69: {  	s31 =	simm.s32 $0x100;
	[sflag:s21] =	ssyncadd.s32 $0xFFFFC000  }
0x6a: {  	[tilespmem:s17], [sflag:$0x1] =	stream.indirect.gather [hbm4b:s4+s16], $0x80, s31, s16, $0xb8;
	[tilespmem:$0x1E800] =	vst v63  }
0x6b: {  	_ =	swait.ge [sflag:s22], $0x4000  }
0x6c: {  	[sflag:s22] =	ssyncset.done $0x0  }
0x6d: {  	s28 =	simm.s32 $0x180;
	s26 =	simm.s32 $0x400;
	[sflag:s22] =	ssyncadd.s32 $0xFFFFC000  }
.LBB2_4:
0x6e: {  	[tilespmem:s18], [sflag:$0x2] =	stream.indirect.gather [hbm4b:s4+s16], $0x80, s28, s16, $0xb8;
	[tilespmem:$0x1E800] =	vst v63  }
0x6f: {  	s28 =	smov.u32 s26  }
0x70: {  	p0 =	sne.s32 s26, $0x4800;
	s26 =	sadd.s32 $0x400, s26;
	_ =	swait.ge [sflag:s19], $0x4000  }
0x71: {  	s28 =	sshra.s32 s28, $0x2;
	[sflag:s19] =	ssyncset.done $0x0  }
0x72: {  	s29 =	sadd.s32 $0x1400, s28;
	[sflag:s19] =	ssyncadd.s32 $0xFFFFC000  }
0x73: {  	[spmem:s2] =	stream.indirect.scatter.add.f32 [tilespmem:s17], [sflag:$0x3], $0x80, s29, s16, $0xb8;
	[tilespmem:$0x1E800] =	vst v63  }
0x74: {  	_ =	swait.ge [sflag:s20], $0x4000  }
0x75: {  	[sflag:s20] =	ssyncset.done $0x0  }
0x76: {  	s29 =	sadd.s32 $0x1480, s28;
	[sflag:s20] =	ssyncadd.s32 $0xFFFFC000  }
0x77: {  	[spmem:s2] =	stream.indirect.scatter.add.f32 [tilespmem:s18], [sflag:$0x4], $0x80, s29, s16, $0xb8;
	[tilespmem:$0x1E800] =	vst v63  }
0x78: {  	_ =	swait.ge [sflag:s21], $0x4000  }
0x79: {  	[sflag:s21] =	ssyncset.done $0x0  }
.Ltmp1:
0x7a: {  	s29 =	sadd.s32 $0x100, s28;
	[sflag:s21] =	ssyncadd.s32 $0xFFFFC000;
	(pc) =	sbr.rel @p0 .LBB2_4-.Ltmp1, $4  }
0x7b: {  	[tilespmem:s17], [sflag:$0x1] =	stream.indirect.gather [hbm4b:s4+s16], $0x80, s29, s16, $0xb8;
	[tilespmem:$0x1E800] =	vst v63  }
0x7c: {  	_ =	swait.ge [sflag:s22], $0x4000  }
0x7d: {  	[sflag:s22] =	ssyncset.done $0x0  }
0x7e: {  	s28 =	sadd.s32 $0x180, s28;
	[sflag:s22] =	ssyncadd.s32 $0xFFFFC000  }
0x7f: {  	[tilespmem:s18], [sflag:$0x2] =	stream.indirect.gather [hbm4b:s4+s16], $0x80, s28, s16, $0xb8;
	[tilespmem:$0x1E800] =	vst v63  }
0x80: {  	_ =	swait.ge [sflag:s19], $0x4000  }
0x81: {  	[sflag:s19] =	ssyncset.done $0x0  }
0x82: {  	[sflag:s19] =	ssyncadd.s32 $0xFFFFC000  }
0x83: {  	[spmem:s2] =	stream.indirect.scatter.add.f32 [tilespmem:s17], [sflag:$0x3], $0x80, s23, s16, $0xb8;
	[tilespmem:$0x1E800] =	vst v63  }
0x84: {  	_ =	swait.ge [sflag:s20], $0x4000  }
0x85: {  	[sflag:s20] =	ssyncset.done $0x0  }
0x86: {  	[sflag:s20] =	ssyncadd.s32 $0xFFFFC000  }
0x87: {  	[spmem:s2] =	stream.indirect.scatter.add.f32 [tilespmem:s18], [sflag:$0x4], $0x80, s24, s16, $0xb8;
	[tilespmem:$0x1E800] =	vst v63  }
0x88: {  	_ =	swait.ge [sflag:s21], $0x4000  }
0x89: {  	[sflag:s21] =	ssyncset.done $0x0  }
0x8a: {  	[sflag:s21] =	ssyncadd.s32 $0xFFFFC000  }
0x8b: {  	_ =	swait.ge [sflag:s22], $0x4000  }
0x8c: {  	s25 =	sadd.s32 $0x1, s25;
	[sflag:s22] =	ssyncset.done $0x0  }
0x8d: {  	p0 =	sne.s32 s25, s12;
	[sflag:s22] =	ssyncadd.s32 $0xFFFFC000  }
.Ltmp2:
0x8e: {  	[bflag:$0x0] =	sbarrier.arrive $0xFFFF;
	(pc) =	sbr.rel @p0 .LBB2_1-.Ltmp2, $4  }
0x8f: {  	[hbm:s11], [sflag:s6] =	dma.local [spmem:s13], $0x2800  }
0x90: {  	_ =	swait.ge [sflag:s14], $0x2800  }
0x91: {  	[sflag:s14] =	ssyncset.done $0x0  }
0x92: {  	[sflag:s14] =	ssyncadd.s32 $0xFFFFD800  }
0x93: {  	_ =	sfence.sel $0x180000  }
0x94: {  	[bflag:$0x0] =	sbarrier.arrive $0xFFFF  }
0x95: {  	p0 =	sne.s32 s1, $0x0;
	_ =	strace $0x9000004A  }
0x96: {  	s0 =	sadd.s32 @!p0 $0x100000, s0;
	[bflag:$0x2] =	sbarrier.arrive $0xFFFF  }
0x97: {  	[sflag:s0] =	ssyncadd.tile.s32 @!p0 $0x1;
	_ =	shalt  }
.Lfunc_end2:
_tile_overlayer_lowered:
.L_overlay_start_2:
0x98: {  	(tag) =	ssettag $0x2  }
0x99: {  	s0 =	rddreg [dreg:$0x0];
	s2 =	stileid.u32  }
0x9a: {  	s1 =	rddreg [dreg:$0x1];
	p0 =	sne.s32 s2, $0x0  }
0x9b: {  	s3 =	rddreg [dreg:$0x2];
	[bflag:$0x3] =	sbarrier.arrive $0xFFFF;
	s2 =	simm.s32 @!p0 $0x1C05  }
0x9c: {  	[timem:s3], [sflag:s2] =	dma.local @!p0 [hbm:s0], s1  }
0x9d: {  	s0 =	simm.s32 @!p0 $0x5  }
0x9e: {  	_ =	swait.ge @!p0 [sflag:s0], s1  }
0x9f: {  	s1 =	ssub.s32 @!p0 $0x0, s1;
	[sflag:s0] =	ssyncset.done @!p0 $0x0  }
0xa0: {  	[sflag:s0] =	ssyncadd.s32 @!p0 s1  }
0xa1: {  	[bflag:$0x3] =	sbarrier.arrive $0xFFFF  }
0xa2: {  	_ =	shalt  }

// kernel: kernel.14.cloned.1.call-start
scs
__scs_entry_jumppad:
0x0: {  	(pc) =	sbr.rel $0x88, $3  }
0x1: {  	(tag) =	ssettag $0x0;
	lr =	simm.s32 $0x1  }
0x2: {  	[smem:$0x3F9B] =	sst lr;
	_ =	strace $0xD0000000  }
0x3: {  	_ = 	snop  }
0x4: {  	_ = 	snop  }
0x5: {  	_ = 	snop  }
0x6: {  	_ = 	snop  }
0x7: {  	_ = 	snop  }
__scs_overlays_trampoline_lowered:
0x8: {  	[smem:$0x3FAA] =	sst s0  }
0x9: {  	[smem:$0x3FAB] =	sst s1  }
0xa: {  	[smem:$0x3FAC] =	sst s2  }
0xb: {  	[smem:$0x3FAD] =	sst s3  }
0xc: {  	[smem:$0x3FAE] =	sst s4  }
0xd: {  	[smem:$0x3FAF] =	sst s5  }
0xe: {  	[smem:$0x3FB0] =	sst s6  }
0xf: {  	[smem:$0x3FB1] =	sst s7  }
0x10: {  	[smem:$0x3FB2] =	sst s8  }
0x11: {  	[smem:$0x3FB3] =	sst s9;
	s0 =	simm.s32 @!p0 $0x0  }
0x12: {  	s1 =	sld [smem:$0x3F99];
	s0 =	simm.s32 @p0 $0x1  }
0x13: {  	[smem:$0x3FB4] =	sst s0;
	s0 =	simm.s32 @!p1 $0x0  }
0x14: {  	s2 =	sld [smem:$0x3F98];
	s0 =	simm.s32 @p1 $0x1  }
0x15: {  	[smem:$0x3FB5] =	sst s0;
	s0 =	simm.s32 @!p2 $0x0  }
0x16: {  	s3 =	sld [smem:$0x3FDB];
	s0 =	simm.s32 @p2 $0x1  }
0x17: {  	s4 =	simm.s32 $0x1BF5;
	[smem:$0x3FB7] =	sst s0  }
0x18: {  	s0 =	sld [smem:$0x3F9A];
	_ =	swait.ge [sflag:s4], $0x0  }
0x19: {  	s7 =	sld [smem:$0x3F9B]  }
0x1a: {  	s8 =	sadd.s32 $0xFFFFE003, lr  }
0x1b: {  	s9 =	sadd.s32 $0xFFFFFEF7, lr;
	s5 =	simm.s32 $0xFFFFFFFF;
	p2 =	slt.u32 s8, $0xFFFFF086  }
0x1c: {  	p1 =	slt.u32 s9, $0xF7A;
	s5 =	simm.s32 @!p2 $0x0  }
0x1d: {  	s5 =	simm.s32 @p1 $0x1;
	p0 =	seq.s32 s7, s2  }
0x1e: {  	s7 =	smul.u32 @!p0 $0xF7A, s2;
	p2 =	seq.s32 @!p0 s5, $0x0  }
0x1f: {  	s9 =	smul.u32 $0xF7A, s1;
	s8 =	simm.s32 @!p0 $0x1BF5;
	p2 =	por !p2, p0  }
0x20: {  	[sflag:s8] =	ssyncset.s32 @!p0 $0xFFFFF086;
	s6 =	sadd.s32 @!p0 s3, s7;
	s7 =	simm.s32 @!p0 $0x108  }
0x21: {  	s3 =	sadd.s32 s3, s9;
	s6 =	sadd.s32 @!p0 $0x88, s6;
	s7 =	simm.s32 @p2 $0x1082  }
0x22: {  	[simem:s7], [sflag:s8] =	dma.local @!p0 [hbm:s6], $0xF7A  }
0x23: {  	s9 =	sor.u32 $0xD0000000, s2;
	s6 =	simm.s32 $0x108;
	_ =	swait.ge @!p0 [sflag:s8], $0x0  }
0x24: {  	s3 =	sadd.s32 $0x88, s3;
	s6 =	simm.s32 @!p1 $0x1082;
	[sflag:s4] =	ssyncset.s32 $0xFFFFF086  }
0x25: {  	[simem:s6], [sflag:s4] =	dma.local [hbm:s3], $0xF7A  }
0x26: {  	[smem:$0x3F9B] =	sst s1;
	(tag) =	ssettag s2;
	_ =	strace s9  }
0x27: {  	s1 =	sld [smem:$0x3FAB]  }
0x28: {  	s2 =	sld [smem:$0x3FAC]  }
0x29: {  	s4 =	sld [smem:$0x3FAE]  }
0x2a: {  	p0 =	seq.s32 s5, $0x0;
	s5 =	sld [smem:$0x3FAF]  }
0x2b: {  	s6 =	sld [smem:$0x3FB0]  }
0x2c: {  	s7 =	sld [smem:$0x3FB1]  }
0x2d: {  	s3 =	simm.s32 $0x108;
	s8 =	sld [smem:$0x3FB2]  }
0x2e: {  	s3 =	simm.s32 @!p0 $0x1082;
	s9 =	sld [smem:$0x3FB3]  }
0x2f: {  	lr =	sadd.s32 s0, s3;
	s0 =	sld [smem:$0x3FAA]  }
0x30: {  	s3 =	sld [smem:$0x3FAD]  }
0x31: {  	[smem:$0x3FB6] =	sst s10  }
0x32: {  	s10 =	sld [smem:$0x3FB4];
	_ =	sdelay $0x3  }
0x33: {  	p0 =	seq.s32 s10, $0x1;
	s10 =	sld [smem:$0x3FB6];
	_ =	sdelay $0x3  }
0x34: {  	[smem:$0x3FB6] =	sst s10  }
0x35: {  	s10 =	sld [smem:$0x3FB5];
	_ =	sdelay $0x3  }
0x36: {  	p1 =	seq.s32 s10, $0x1;
	s10 =	sld [smem:$0x3FB6];
	_ =	sdelay $0x3  }
0x37: {  	[smem:$0x3FB6] =	sst s10  }
0x38: {  	s10 =	sld [smem:$0x3FB7]  }
0x39: {  	_ = 	snop;
	(pc) =	sbr.ind lr, $3  }
0x3a: {  	_ = 	snop  }
0x3b: {  	_ = 	snop  }
0x3c: {  	p2 =	seq.s32 s10, $0x1;
	s10 =	sld [smem:$0x3FB6]  }
0x3d: {  	_ =	shalt  }
0x3e: {  	_ =	shalt  }
0x3f: {  	_ =	shalt  }
0x40: {  	_ =	shalt  }
0x41: {  	_ =	shalt  }
0x42: {  	_ =	shalt  }
0x43: {  	_ =	shalt  }
0x44: {  	_ =	shalt  }
0x45: {  	_ =	shalt  }
0x46: {  	_ =	shalt  }
0x47: {  	_ =	shalt  }
0x48: {  	_ =	shalt  }
0x49: {  	_ =	shalt  }
0x4a: {  	_ =	shalt  }
0x4b: {  	_ =	shalt  }
0x4c: {  	_ =	shalt  }
0x4d: {  	_ =	shalt  }
0x4e: {  	_ =	shalt  }
0x4f: {  	_ =	shalt  }
0x50: {  	_ =	shalt  }
0x51: {  	_ =	shalt  }
0x52: {  	_ =	shalt  }
0x53: {  	_ =	shalt  }
0x54: {  	_ =	shalt  }
0x55: {  	_ =	shalt  }
0x56: {  	_ =	shalt  }
0x57: {  	_ =	shalt  }
0x58: {  	_ =	shalt  }
0x59: {  	_ =	shalt  }
0x5a: {  	_ =	shalt  }
0x5b: {  	_ =	shalt  }
0x5c: {  	_ =	shalt  }
0x5d: {  	_ =	shalt  }
0x5e: {  	_ =	shalt  }
0x5f: {  	_ =	shalt  }
0x60: {  	_ =	shalt  }
0x61: {  	_ =	shalt  }
0x62: {  	_ =	shalt  }
0x63: {  	_ =	shalt  }
0x64: {  	_ =	shalt  }
0x65: {  	_ =	shalt  }
0x66: {  	_ =	shalt  }
0x67: {  	_ =	shalt  }
0x68: {  	_ =	shalt  }
0x69: {  	_ =	shalt  }
0x6a: {  	_ =	shalt  }
0x6b: {  	_ =	shalt  }
0x6c: {  	_ =	shalt  }
0x6d: {  	_ =	shalt  }
0x6e: {  	_ =	shalt  }
0x6f: {  	_ =	shalt  }
0x70: {  	_ =	shalt  }
0x71: {  	_ =	shalt  }
0x72: {  	_ =	shalt  }
0x73: {  	_ =	shalt  }
0x74: {  	_ =	shalt  }
0x75: {  	_ =	shalt  }
0x76: {  	_ =	shalt  }
0x77: {  	_ =	shalt  }
0x78: {  	_ =	shalt  }
0x79: {  	_ =	shalt  }
0x7a: {  	_ =	shalt  }
0x7b: {  	_ =	shalt  }
0x7c: {  	_ =	shalt  }
0x7d: {  	_ =	shalt  }
0x7e: {  	_ =	shalt  }
0x7f: {  	_ =	shalt  }
0x80: {  	_ =	shalt  }
0x81: {  	_ =	shalt  }
0x82: {  	_ =	shalt  }
0x83: {  	_ =	shalt  }
0x84: {  	_ =	shalt  }
0x85: {  	_ =	shalt  }
0x86: {  	_ =	shalt  }
0x87: {  	_ =	shalt  }
.Lfunc_end0:
.L_simem_size_0:
called_computation.2_lowered:
.L_overlay_start_0:
0x88: {  	s2 =	sld [smem:$0x3FD9]  }
0x89: {  	s3 =	sld [smem:$0x3FFE];
	_ =	sdelay $0x1  }
0x8a: {  	s1 =	srdreg.scid  }
0x8b: {  	s0 =	sand.u32 $0x1, s1  }
0x8c: {  	s17 =	sshll.u32 s0, $0xA;
	s2 =	sadd.s32 s3, s2  }
0x8d: {  	s2 =	sadd.s32 s2, s17  }
0x8e: {  	[smem:$0x3FC2] =	sst s2  }
0x8f: {  	_ = 	snop  }
0x90: {  	s2 =	sld [smem:$0x3FD0];
	(tm) =	ssettm $0x1  }
0x91: {  	s18 =	sld [smem:$0x3FFB];
	_ =	sdelay $0x3  }
0x92: {  	_ =	strace s18  }
0x93: {  	s3 =	sld [smem:$0x3FFC];
	_ =	sdelay $0x3  }
0x94: {  	_ =	strace s3  }
0x95: {  	s3 =	sld [smem:$0x3FFD];
	_ =	sdelay $0x3  }
0x96: {  	_ =	strace s3  }
0x97: {  	_ =	strace $0x8FFFFFFF  }
0x98: {  	s19 =	sld [smem:$0x3FDB];
	_ =	sdelay $0x1  }
0x99: {  	s4 =	simm.s32 $_scs_section_size  }
0x9a: {  	s5 =	simm.s32 $_size__tile_overlayer_lowered;
	s6 =	simm.s32 $_tile_overlayer_lowered  }
0x9b: {  	s22 =	simm.s32 $0x1BFF;
	s21 =	sshll.u32 s6, $0x1;
	s3 =	sadd.s32 s4, s19  }
0x9c: {  	s7 =	simm.s32 $0x0;
	s20 =	sshll.u32 s5, $0x1;
	s5 =	sadd.s32 s21, s3  }
0x9d: {  	[timem:s7], [sflag:s22] =	dma.local [hbm:s5], s20  }
0x9e: {  	_ =	swait.ge [sflag:s22], s20  }
0x9f: {  	s4 =	ssub.s32 $0x0, s20;
	[sflag:s22] =	ssyncset.done $0x0  }
0xa0: {  	[sflag:s22] =	ssyncadd.s32 s4;
	_ =	sdelay $0x1  }
0xa1: {  	s23 =	simm.s32 $0x1B8B  }
0xa2: {  	_ =	swait.ge [sflag:s23], $0x1  }
0xa3: {  	[sflag:s23] =	ssyncset.done $0x0  }
0xa4: {  	s25 =	simm.s32 $0x1B8E;
	s24 =	sld [smem:$0x3FFE];
	[sflag:s23] =	ssyncadd.s32 $0xFFFFFFFF  }
0xa5: {  	s26 =	simm.s32 $execute0_lowered;
	[smem:$0x3FD2] =	sst s25  }
0xa6: {  	s5 =	sshll.u32 s26, $0x1;
	_ =	strace $0x8000004C;
	[dreg:$0x1] =	wrdreg $0xFFFFFFFF  }
0xa7: {  	s28 =	simm.s32 $_size_execute0_lowered;
	s3 =	sadd.s32 s3, s5;
	[dreg:$0x0] =	wrdreg $0x0  }
0xa8: {  	s5 =	sshll.u32 s28, $0x1;
	[dreg:$0x2] =	wrdreg s3  }
0xa9: {  	[dreg:$0x3] =	wrdreg s5  }
0xaa: {  	[dreg:$0x4] =	wrdreg $0xC0  }
0xab: {  	_ =	task [dreg:s7], $0x5FFFF  }
0xac: {  	[dreg:$0x1] =	wrdreg $0xFFFFFFFF  }
0xad: {  	[dreg:$0x0] =	wrdreg $0x60  }
0xae: {  	[dreg:$0x2] =	wrdreg s24  }
0xaf: {  	[dreg:$0x3] =	wrdreg s2  }
0xb0: {  	[dreg:$0x4] =	wrdreg $0xA8000  }
0xb1: {  	[dreg:$0x5] =	wrdreg $0x9  }
0xb2: {  	_ =	task.clear_ibuf [dreg:s7], $0x6FFFF;
	_ =	strace $0x9000004C  }
0xb3: {  	s29 =	simm.s32 $0x9;
	_ =	strace $0x8000004E  }
0xb4: {  	_ =	swait.ge [sflag:s29], $0x1  }
0xb5: {  	[sflag:s29] =	ssyncadd.s32 $0xFFFFFFFF  }
0xb6: {  	_ =	strace $0x9000004E  }
0xb7: {  	_ =	sfence  }
0xb8: {  	s30 =	sld [smem:$0x0];
	_ =	sdelay $0x2  }
0xb9: {  	s31 =	sshll.u32 s1, $0xD;
	s1 =	sshrl.u32 s1, $0x2  }
0xba: {  	s3 =	sand.u32 $0x4000, s31;
	s1 =	sadd.s32 s1, s30  }
0xbb: {  	s0 =	sor.u32 s3, s0;
	s1 =	sshll.u32 s1, $0x11  }
0xbc: {  	s0 =	sor.u32 s1, s0  }
0xbd: {  	s0 =	sadd.s32 $0x8F2B, s0  }
0xbe: {  	[sflag:s0] =	ssyncadd.remote.s32 $0x1  }
0xbf: {  	_ =	sfence.sel $0xFFFF  }
0xc0: {  	[dreg:$0x0] =	wrdreg $0xFFFFFFFF;
	(pc) =	sbr.abs _section_cstart, $3  }
0xc1: {  	[dreg:$0x1] =	wrdreg $0xFFFFFFFF  }
0xc2: {  	_ =	task.clear_ibuf [dreg:s7], $0x2FFFF;
	_ =	strace $0x9FFFFFFF  }
0xc3: {  	(tm) =	ssettm $0x7FFFFFFF  }
tec
execute0_lowered:
.L_overlay_start_1:
0x0: {  	(tag) =	ssettag $0x1  }
0x1: {  	s5 =	rddreg [dreg:$0x0]  }
0x2: {  	s10 =	rddreg [dreg:$0x1]  }
0x3: {  	s2 =	rddreg [dreg:$0x2]  }
0x4: {  	s0 =	rddreg [dreg:$0x3]  }
0x5: {  	s1 =	stileid.u32;
	s4 =	srdreg.scid;
	s3 =	simm.s32 $0x0  }
0x6: {  	s16 =	simm.s32 $0x80;
	s17 =	simm.s32 $0x2800;
	s18 =	simm.s32 $0x6800  }
0x7: {  	s19 =	simm.s32 $0x1;
	s20 =	simm.s32 $0x2;
	s21 =	simm.s32 $0x3  }
0x8: {  	s22 =	simm.s32 $0x4;
	s23 =	simm.s32 $0x2700;
	s6 =	smul.u32 $0x2800, s1  }
0x9: {  	s7 =	sand.u32 $0x1, s4;
	[smem:$0x7FF] =	sst s3;
	s4 =	sadd.s32 $0x84600, s5  }
0xa: {  	s9 =	sadd.s32 $0x7A600, s5;
	s24 =	smul.u32 $0x50000, s1;
	s13 =	sshll.u32 s1, $0x1  }
0xb: {  	s30 =	sshll.u32 s1, $0x6;
	s8 =	smul.u32 $0x28000, s7;
	_ =	strace $0x8000004D  }
0xc: {  	s12 =	sshll.u32 s7, $0x5;
	s25 =	ssub.s32 $0x2, s7;
	s11 =	sadd.s32 s6, s5  }
0xd: {  	s26 =	sor.u32 s13, s12;
	s7 =	sshrl.u32 s25, $0x1;
	s6 =	sadd.s32 s6, s8  }
0xe: {  	s8 =	sshrl.u32 s24, $0x2;
	s12 =	smul.u32 $0x1400, s26;
	s28 =	ssub.s32 s25, s7  }
0xf: {  	s29 =	smul.u32 $0x280, s26;
	s24 =	simm.s32 $0x2780;
	s25 =	simm.s32 $0x0  }
0x10: {  	s14 =	sadd.s32 s6, s5;
	s15 =	sadd.s32 s8, s2;
	s5 =	sadd.s32 $0x2600, s11  }
0x11: {  	s6 =	sor.u32 $0x1C05, s30;
	s31 =	sshrl.u32 s12, $0x3;
	s7 =	sadd.s32 s9, s29  }
0x12: {  	s8 =	sadd.s32 s10, s29;
	s12 =	smax.u32 s28, $0x1;
	s11 =	sadd.s32 $0x280, s31  }
0x13: {  	s13 =	sshrl.u32 s15, $0x3;
	s15 =	simm.s32 $0x1400;
	s9 =	sadd.s32 s9, s11  }
0x14: {  	s10 =	sadd.s32 s10, s11;
	s11 =	sadd.s32 $0xAC600, s14;
	s14 =	simm.s32 $0x5  }
.LBB2_1:
0x15: {  	[spmem:s13], [sflag:s6] =	dma.local [hbm:s5], $0x2800  }
0x16: {  	_ =	swait.ge [sflag:s14], $0x2800  }
0x17: {  	[sflag:s14] =	ssyncset.done $0x0  }
0x18: {  	[sflag:s14] =	ssyncadd.s32 $0xFFFFD800  }
0x19: {  	[bflag:$0x0] =	sbarrier.arrive $0xFFFF  }
0x1a: {  	[tilespmem:s3], [sflag:$0x5] =	stream.linear.gather [hbm4b:s7+s3], $0x1400, $0x38;
	[tilespmem:$0x1E800] =	vst v63  }
0x1b: {  	_ =	swait.ge [sflag:s14], $0x1400  }
0x1c: {  	[sflag:s14] =	ssyncset.done $0x0  }
0x1d: {  	[sflag:s14] =	ssyncadd.s32 $0xFFFFEC00  }
0x1e: {  	[tilespmem:s15], [sflag:$0x5] =	stream.linear.gather [hbm4b:s8+s3], $0x1400, $0x38;
	[tilespmem:$0x1E800] =	vst v63  }
0x1f: {  	_ =	swait.ge [sflag:s14], $0x1400  }
0x20: {  	[sflag:s14] =	ssyncset.done $0x0  }
0x21: {  	[sflag:s14] =	ssyncadd.s32 $0xFFFFEC00  }
0x22: {  	[tilespmem:s17], [sflag:$0x1] =	stream.indirect.gather [hbm4b:s4+s16], $0x80, s3, s16, $0xb8;
	[tilespmem:$0x1E800] =	vst v63  }
0x23: {  	_ = 	snop  }
0x24: {  	[tilespmem:s18], [sflag:$0x2] =	stream.indirect.gather [hbm4b:s4+s16], $0x80, s16, s16, $0xb8;
	[tilespmem:$0x1E800] =	vst v63  }
0x25: {  	_ =	swait.ge [sflag:s19], $0x4000  }
0x26: {  	[sflag:s19] =	ssyncset.done $0x0  }
0x27: {  	s26 =	simm.s32 $0x1400;
	[sflag:s19] =	ssyncadd.s32 $0xFFFFC000  }
0x28: {  	[spmem:s2] =	stream.indirect.scatter.add.f32 [tilespmem:s17], [sflag:$0x3], $0x80, s26, s16, $0xb8;
	[tilespmem:$0x1E800] =	vst v63  }
0x29: {  	_ =	swait.ge [sflag:s20], $0x4000  }
0x2a: {  	[sflag:s20] =	ssyncset.done $0x0  }
0x2b: {  	s30 =	simm.s32 $0x1480;
	[sflag:s20] =	ssyncadd.s32 $0xFFFFC000  }
0x2c: {  	[spmem:s2] =	stream.indirect.scatter.add.f32 [tilespmem:s18], [sflag:$0x4], $0x80, s30, s16, $0xb8;
	[tilespmem:$0x1E800] =	vst v63  }
0x2d: {  	_ =	swait.ge [sflag:s21], $0x4000  }
0x2e: {  	[sflag:s21] =	ssyncset.done $0x0  }
0x2f: {  	s31 =	simm.s32 $0x100;
	[sflag:s21] =	ssyncadd.s32 $0xFFFFC000  }
0x30: {  	[tilespmem:s17], [sflag:$0x1] =	stream.indirect.gather [hbm4b:s4+s16], $0x80, s31, s16, $0xb8;
	[tilespmem:$0x1E800] =	vst v63  }
0x31: {  	_ =	swait.ge [sflag:s22], $0x4000  }
0x32: {  	[sflag:s22] =	ssyncset.done $0x0  }
0x33: {  	s28 =	simm.s32 $0x180;
	s26 =	simm.s32 $0x400;
	[sflag:s22] =	ssyncadd.s32 $0xFFFFC000  }
.LBB2_2:
0x34: {  	[tilespmem:s18], [sflag:$0x2] =	stream.indirect.gather [hbm4b:s4+s16], $0x80, s28, s16, $0xb8;
	[tilespmem:$0x1E800] =	vst v63  }
0x35: {  	s28 =	smov.u32 s26  }
0x36: {  	p0 =	sne.s32 s26, $0x4800;
	s26 =	sadd.s32 $0x400, s26;
	_ =	swait.ge [sflag:s19], $0x4000  }
0x37: {  	s28 =	sshra.s32 s28, $0x2;
	[sflag:s19] =	ssyncset.done $0x0  }
0x38: {  	s29 =	sadd.s32 $0x1400, s28;
	[sflag:s19] =	ssyncadd.s32 $0xFFFFC000  }
0x39: {  	[spmem:s2] =	stream.indirect.scatter.add.f32 [tilespmem:s17], [sflag:$0x3], $0x80, s29, s16, $0xb8;
	[tilespmem:$0x1E800] =	vst v63  }
0x3a: {  	_ =	swait.ge [sflag:s20], $0x4000  }
0x3b: {  	[sflag:s20] =	ssyncset.done $0x0  }
0x3c: {  	s29 =	sadd.s32 $0x1480, s28;
	[sflag:s20] =	ssyncadd.s32 $0xFFFFC000  }
0x3d: {  	[spmem:s2] =	stream.indirect.scatter.add.f32 [tilespmem:s18], [sflag:$0x4], $0x80, s29, s16, $0xb8;
	[tilespmem:$0x1E800] =	vst v63  }
0x3e: {  	_ =	swait.ge [sflag:s21], $0x4000  }
0x3f: {  	[sflag:s21] =	ssyncset.done $0x0  }
.Ltmp0:
0x40: {  	s29 =	sadd.s32 $0x100, s28;
	[sflag:s21] =	ssyncadd.s32 $0xFFFFC000;
	(pc) =	sbr.rel @p0 .LBB2_2-.Ltmp0, $4  }
0x41: {  	[tilespmem:s17], [sflag:$0x1] =	stream.indirect.gather [hbm4b:s4+s16], $0x80, s29, s16, $0xb8;
	[tilespmem:$0x1E800] =	vst v63  }
0x42: {  	_ =	swait.ge [sflag:s22], $0x4000  }
0x43: {  	[sflag:s22] =	ssyncset.done $0x0  }
0x44: {  	s28 =	sadd.s32 $0x180, s28;
	[sflag:s22] =	ssyncadd.s32 $0xFFFFC000  }
0x45: {  	[tilespmem:s18], [sflag:$0x2] =	stream.indirect.gather [hbm4b:s4+s16], $0x80, s28, s16, $0xb8;
	[tilespmem:$0x1E800] =	vst v63  }
0x46: {  	_ =	swait.ge [sflag:s19], $0x4000  }
0x47: {  	[sflag:s19] =	ssyncset.done $0x0  }
0x48: {  	[sflag:s19] =	ssyncadd.s32 $0xFFFFC000  }
0x49: {  	[spmem:s2] =	stream.indirect.scatter.add.f32 [tilespmem:s17], [sflag:$0x3], $0x80, s23, s16, $0xb8;
	[tilespmem:$0x1E800] =	vst v63  }
0x4a: {  	_ =	swait.ge [sflag:s20], $0x4000  }
0x4b: {  	[sflag:s20] =	ssyncset.done $0x0  }
0x4c: {  	[sflag:s20] =	ssyncadd.s32 $0xFFFFC000  }
0x4d: {  	[spmem:s2] =	stream.indirect.scatter.add.f32 [tilespmem:s18], [sflag:$0x4], $0x80, s24, s16, $0xb8;
	[tilespmem:$0x1E800] =	vst v63  }
0x4e: {  	_ =	swait.ge [sflag:s21], $0x4000  }
0x4f: {  	[sflag:s21] =	ssyncset.done $0x0  }
0x50: {  	[sflag:s21] =	ssyncadd.s32 $0xFFFFC000  }
0x51: {  	_ =	swait.ge [sflag:s22], $0x4000  }
0x52: {  	[sflag:s22] =	ssyncset.done $0x0  }
0x53: {  	s26 =	simm.s32 $0x0;
	[sflag:s22] =	ssyncadd.s32 $0xFFFFC000  }
0x54: {  	[tilespmem:s26], [sflag:$0x5] =	stream.linear.gather [hbm4b:s9+s26], $0x1400, $0x38;
	[tilespmem:$0x1E800] =	vst v63  }
0x55: {  	_ =	swait.ge [sflag:s14], $0x1400  }
0x56: {  	[sflag:s14] =	ssyncset.done $0x0  }
0x57: {  	[sflag:s14] =	ssyncadd.s32 $0xFFFFEC00  }
0x58: {  	[tilespmem:s15], [sflag:$0x5] =	stream.linear.gather [hbm4b:s10+s26], $0x1400, $0x38;
	[tilespmem:$0x1E800] =	vst v63  }
0x59: {  	_ =	swait.ge [sflag:s14], $0x1400  }
0x5a: {  	[sflag:s14] =	ssyncset.done $0x0  }
0x5b: {  	[sflag:s14] =	ssyncadd.s32 $0xFFFFEC00  }
0x5c: {  	[tilespmem:s17], [sflag:$0x1] =	stream.indirect.gather [hbm4b:s4+s16], $0x80, s26, s16, $0xb8;
	[tilespmem:$0x1E800] =	vst v63  }
0x5d: {  	_ = 	snop  }
0x5e: {  	[tilespmem:s18], [sflag:$0x2] =	stream.indirect.gather [hbm4b:s4+s16], $0x80, s16, s16, $0xb8;
	[tilespmem:$0x1E800] =	vst v63  }
0x5f: {  	_ =	swait.ge [sflag:s19], $0x4000  }
0x60: {  	[sflag:s19] =	ssyncset.done $0x0  }
0x61: {  	s29 =	simm.s32 $0x1400;
	[sflag:s19] =	ssyncadd.s32 $0xFFFFC000  }
0x62: {  	[spmem:s2] =	stream.indirect.scatter.add.f32 [tilespmem:s17], [sflag:$0x3], $0x80, s29, s16, $0xb8;
	[tilespmem:$0x1E800] =	vst v63  }
0x63: {  	_ =	swait.ge [sflag:s20], $0x4000  }
0x64: {  	[sflag:s20] =	ssyncset.done $0x0  }
0x65: {  	s30 =	simm.s32 $0x1480;
	[sflag:s20] =	ssyncadd.s32 $0xFFFFC000  }
0x66: {  	[spmem:s2] =	stream.indirect.scatter.add.f32 [tilespmem:s18], [sflag:$0x4], $0x80, s30, s16, $0xb8;
	[tilespmem:$0x1E800] =	vst v63  }
0x67: {  	_ =	swait.ge [sflag:s21], $0x4000  }
0x68: {  	[sflag:s21] =	ssyncset.done $0x0  }
0x69: {  	s31 =	simm.s32 $0x100;
	[sflag:s21] =	ssyncadd.s32 $0xFFFFC000  }
0x6a: {  	[tilespmem:s17], [sflag:$0x1] =	stream.indirect.gather [hbm4b:s4+s16], $0x80, s31, s16, $0xb8;
	[tilespmem:$0x1E800] =	vst v63  }
0x6b: {  	_ =	swait.ge [sflag:s22], $0x4000  }
0x6c: {  	[sflag:s22] =	ssyncset.done $0x0  }
0x6d: {  	s28 =	simm.s32 $0x180;
	s26 =	simm.s32 $0x400;
	[sflag:s22] =	ssyncadd.s32 $0xFFFFC000  }
.LBB2_4:
0x6e: {  	[tilespmem:s18], [sflag:$0x2] =	stream.indirect.gather [hbm4b:s4+s16], $0x80, s28, s16, $0xb8;
	[tilespmem:$0x1E800] =	vst v63  }
0x6f: {  	s28 =	smov.u32 s26  }
0x70: {  	p0 =	sne.s32 s26, $0x4800;
	s26 =	sadd.s32 $0x400, s26;
	_ =	swait.ge [sflag:s19], $0x4000  }
0x71: {  	s28 =	sshra.s32 s28, $0x2;
	[sflag:s19] =	ssyncset.done $0x0  }
0x72: {  	s29 =	sadd.s32 $0x1400, s28;
	[sflag:s19] =	ssyncadd.s32 $0xFFFFC000  }
0x73: {  	[spmem:s2] =	stream.indirect.scatter.add.f32 [tilespmem:s17], [sflag:$0x3], $0x80, s29, s16, $0xb8;
	[tilespmem:$0x1E800] =	vst v63  }
0x74: {  	_ =	swait.ge [sflag:s20], $0x4000  }
0x75: {  	[sflag:s20] =	ssyncset.done $0x0  }
0x76: {  	s29 =	sadd.s32 $0x1480, s28;
	[sflag:s20] =	ssyncadd.s32 $0xFFFFC000  }
0x77: {  	[spmem:s2] =	stream.indirect.scatter.add.f32 [tilespmem:s18], [sflag:$0x4], $0x80, s29, s16, $0xb8;
	[tilespmem:$0x1E800] =	vst v63  }
0x78: {  	_ =	swait.ge [sflag:s21], $0x4000  }
0x79: {  	[sflag:s21] =	ssyncset.done $0x0  }
.Ltmp1:
0x7a: {  	s29 =	sadd.s32 $0x100, s28;
	[sflag:s21] =	ssyncadd.s32 $0xFFFFC000;
	(pc) =	sbr.rel @p0 .LBB2_4-.Ltmp1, $4  }
0x7b: {  	[tilespmem:s17], [sflag:$0x1] =	stream.indirect.gather [hbm4b:s4+s16], $0x80, s29, s16, $0xb8;
	[tilespmem:$0x1E800] =	vst v63  }
0x7c: {  	_ =	swait.ge [sflag:s22], $0x4000  }
0x7d: {  	[sflag:s22] =	ssyncset.done $0x0  }
0x7e: {  	s28 =	sadd.s32 $0x180, s28;
	[sflag:s22] =	ssyncadd.s32 $0xFFFFC000  }
0x7f: {  	[tilespmem:s18], [sflag:$0x2] =	stream.indirect.gather [hbm4b:s4+s16], $0x80, s28, s16, $0xb8;
	[tilespmem:$0x1E800] =	vst v63  }
0x80: {  	_ =	swait.ge [sflag:s19], $0x4000  }
0x81: {  	[sflag:s19] =	ssyncset.done $0x0  }
0x82: {  	[sflag:s19] =	ssyncadd.s32 $0xFFFFC000  }
0x83: {  	[spmem:s2] =	stream.indirect.scatter.add.f32 [tilespmem:s17], [sflag:$0x3], $0x80, s23, s16, $0xb8;
	[tilespmem:$0x1E800] =	vst v63  }
0x84: {  	_ =	swait.ge [sflag:s20], $0x4000  }
0x85: {  	[sflag:s20] =	ssyncset.done $0x0  }
0x86: {  	[sflag:s20] =	ssyncadd.s32 $0xFFFFC000  }
0x87: {  	[spmem:s2] =	stream.indirect.scatter.add.f32 [tilespmem:s18], [sflag:$0x4], $0x80, s24, s16, $0xb8;
	[tilespmem:$0x1E800] =	vst v63  }
0x88: {  	_ =	swait.ge [sflag:s21], $0x4000  }
0x89: {  	[sflag:s21] =	ssyncset.done $0x0  }
0x8a: {  	[sflag:s21] =	ssyncadd.s32 $0xFFFFC000  }
0x8b: {  	_ =	swait.ge [sflag:s22], $0x4000  }
0x8c: {  	s25 =	sadd.s32 $0x1, s25;
	[sflag:s22] =	ssyncset.done $0x0  }
0x8d: {  	p0 =	sne.s32 s25, s12;
	[sflag:s22] =	ssyncadd.s32 $0xFFFFC000  }
.Ltmp2:
0x8e: {  	[bflag:$0x0] =	sbarrier.arrive $0xFFFF;
	(pc) =	sbr.rel @p0 .LBB2_1-.Ltmp2, $4  }
0x8f: {  	[hbm:s11], [sflag:s6] =	dma.local [spmem:s13], $0x2800  }
0x90: {  	_ =	swait.ge [sflag:s14], $0x2800  }
0x91: {  	[sflag:s14] =	ssyncset.done $0x0  }
0x92: {  	[sflag:s14] =	ssyncadd.s32 $0xFFFFD800  }
0x93: {  	_ =	sfence.sel $0x180000  }
0x94: {  	[bflag:$0x0] =	sbarrier.arrive $0xFFFF  }
0x95: {  	p0 =	sne.s32 s1, $0x0;
	_ =	strace $0x9000004D  }
0x96: {  	s0 =	sadd.s32 @!p0 $0x100000, s0;
	[bflag:$0x2] =	sbarrier.arrive $0xFFFF  }
0x97: {  	[sflag:s0] =	ssyncadd.tile.s32 @!p0 $0x1;
	_ =	shalt  }
.Lfunc_end2:
_tile_overlayer_lowered:
.L_overlay_start_2:
0x98: {  	(tag) =	ssettag $0x2  }
0x99: {  	s0 =	rddreg [dreg:$0x0];
	s2 =	stileid.u32  }
0x9a: {  	s1 =	rddreg [dreg:$0x1];
	p0 =	sne.s32 s2, $0x0  }
0x9b: {  	s3 =	rddreg [dreg:$0x2];
	[bflag:$0x3] =	sbarrier.arrive $0xFFFF;
	s2 =	simm.s32 @!p0 $0x1C05  }
0x9c: {  	[timem:s3], [sflag:s2] =	dma.local @!p0 [hbm:s0], s1  }
0x9d: {  	s0 =	simm.s32 @!p0 $0x5  }
0x9e: {  	_ =	swait.ge @!p0 [sflag:s0], s1  }
0x9f: {  	s1 =	ssub.s32 @!p0 $0x0, s1;
	[sflag:s0] =	ssyncset.done @!p0 $0x0  }
0xa0: {  	[sflag:s0] =	ssyncadd.s32 @!p0 s1  }
0xa1: {  	[bflag:$0x3] =	sbarrier.arrive $0xFFFF  }
0xa2: {  	_ =	shalt  }

// kernel: kernel.8.cloned.1.call-start
scs
__scs_entry_jumppad:
0x0: {  	(pc) =	sbr.rel $0x88, $3  }
0x1: {  	(tag) =	ssettag $0x0;
	lr =	simm.s32 $0x1  }
0x2: {  	[smem:$0x3F9B] =	sst lr;
	_ =	strace $0xD0000000  }
0x3: {  	_ = 	snop  }
0x4: {  	_ = 	snop  }
0x5: {  	_ = 	snop  }
0x6: {  	_ = 	snop  }
0x7: {  	_ = 	snop  }
__scs_overlays_trampoline_lowered:
0x8: {  	[smem:$0x3FAA] =	sst s0  }
0x9: {  	[smem:$0x3FAB] =	sst s1  }
0xa: {  	[smem:$0x3FAC] =	sst s2  }
0xb: {  	[smem:$0x3FAD] =	sst s3  }
0xc: {  	[smem:$0x3FAE] =	sst s4  }
0xd: {  	[smem:$0x3FAF] =	sst s5  }
0xe: {  	[smem:$0x3FB0] =	sst s6  }
0xf: {  	[smem:$0x3FB1] =	sst s7  }
0x10: {  	[smem:$0x3FB2] =	sst s8  }
0x11: {  	[smem:$0x3FB3] =	sst s9;
	s0 =	simm.s32 @!p0 $0x0  }
0x12: {  	s1 =	sld [smem:$0x3F99];
	s0 =	simm.s32 @p0 $0x1  }
0x13: {  	[smem:$0x3FB4] =	sst s0;
	s0 =	simm.s32 @!p1 $0x0  }
0x14: {  	s2 =	sld [smem:$0x3F98];
	s0 =	simm.s32 @p1 $0x1  }
0x15: {  	[smem:$0x3FB5] =	sst s0;
	s0 =	simm.s32 @!p2 $0x0  }
0x16: {  	s3 =	sld [smem:$0x3FDB];
	s0 =	simm.s32 @p2 $0x1  }
0x17: {  	s4 =	simm.s32 $0x1BF5;
	[smem:$0x3FB7] =	sst s0  }
0x18: {  	s0 =	sld [smem:$0x3F9A];
	_ =	swait.ge [sflag:s4], $0x0  }
0x19: {  	s7 =	sld [smem:$0x3F9B]  }
0x1a: {  	s8 =	sadd.s32 $0xFFFFE003, lr  }
0x1b: {  	s9 =	sadd.s32 $0xFFFFFEF7, lr;
	s5 =	simm.s32 $0xFFFFFFFF;
	p2 =	slt.u32 s8, $0xFFFFF086  }
0x1c: {  	p1 =	slt.u32 s9, $0xF7A;
	s5 =	simm.s32 @!p2 $0x0  }
0x1d: {  	s5 =	simm.s32 @p1 $0x1;
	p0 =	seq.s32 s7, s2  }
0x1e: {  	s7 =	smul.u32 @!p0 $0xF7A, s2;
	p2 =	seq.s32 @!p0 s5, $0x0  }
0x1f: {  	s9 =	smul.u32 $0xF7A, s1;
	s8 =	simm.s32 @!p0 $0x1BF5;
	p2 =	por !p2, p0  }
0x20: {  	[sflag:s8] =	ssyncset.s32 @!p0 $0xFFFFF086;
	s6 =	sadd.s32 @!p0 s3, s7;
	s7 =	simm.s32 @!p0 $0x108  }
0x21: {  	s3 =	sadd.s32 s3, s9;
	s6 =	sadd.s32 @!p0 $0x88, s6;
	s7 =	simm.s32 @p2 $0x1082  }
0x22: {  	[simem:s7], [sflag:s8] =	dma.local @!p0 [hbm:s6], $0xF7A  }
0x23: {  	s9 =	sor.u32 $0xD0000000, s2;
	s6 =	simm.s32 $0x108;
	_ =	swait.ge @!p0 [sflag:s8], $0x0  }
0x24: {  	s3 =	sadd.s32 $0x88, s3;
	s6 =	simm.s32 @!p1 $0x1082;
	[sflag:s4] =	ssyncset.s32 $0xFFFFF086  }
0x25: {  	[simem:s6], [sflag:s4] =	dma.local [hbm:s3], $0xF7A  }
0x26: {  	[smem:$0x3F9B] =	sst s1;
	(tag) =	ssettag s2;
	_ =	strace s9  }
0x27: {  	s1 =	sld [smem:$0x3FAB]  }
0x28: {  	s2 =	sld [smem:$0x3FAC]  }
0x29: {  	s4 =	sld [smem:$0x3FAE]  }
0x2a: {  	p0 =	seq.s32 s5, $0x0;
	s5 =	sld [smem:$0x3FAF]  }
0x2b: {  	s6 =	sld [smem:$0x3FB0]  }
0x2c: {  	s7 =	sld [smem:$0x3FB1]  }
0x2d: {  	s3 =	simm.s32 $0x108;
	s8 =	sld [smem:$0x3FB2]  }
0x2e: {  	s3 =	simm.s32 @!p0 $0x1082;
	s9 =	sld [smem:$0x3FB3]  }
0x2f: {  	lr =	sadd.s32 s0, s3;
	s0 =	sld [smem:$0x3FAA]  }
0x30: {  	s3 =	sld [smem:$0x3FAD]  }
0x31: {  	[smem:$0x3FB6] =	sst s10  }
0x32: {  	s10 =	sld [smem:$0x3FB4];
	_ =	sdelay $0x3  }
0x33: {  	p0 =	seq.s32 s10, $0x1;
	s10 =	sld [smem:$0x3FB6];
	_ =	sdelay $0x3  }
0x34: {  	[smem:$0x3FB6] =	sst s10  }
0x35: {  	s10 =	sld [smem:$0x3FB5];
	_ =	sdelay $0x3  }
0x36: {  	p1 =	seq.s32 s10, $0x1;
	s10 =	sld [smem:$0x3FB6];
	_ =	sdelay $0x3  }
0x37: {  	[smem:$0x3FB6] =	sst s10  }
0x38: {  	s10 =	sld [smem:$0x3FB7]  }
0x39: {  	_ = 	snop;
	(pc) =	sbr.ind lr, $3  }
0x3a: {  	_ = 	snop  }
0x3b: {  	_ = 	snop  }
0x3c: {  	p2 =	seq.s32 s10, $0x1;
	s10 =	sld [smem:$0x3FB6]  }
0x3d: {  	_ =	shalt  }
0x3e: {  	_ =	shalt  }
0x3f: {  	_ =	shalt  }
0x40: {  	_ =	shalt  }
0x41: {  	_ =	shalt  }
0x42: {  	_ =	shalt  }
0x43: {  	_ =	shalt  }
0x44: {  	_ =	shalt  }
0x45: {  	_ =	shalt  }
0x46: {  	_ =	shalt  }
0x47: {  	_ =	shalt  }
0x48: {  	_ =	shalt  }
0x49: {  	_ =	shalt  }
0x4a: {  	_ =	shalt  }
0x4b: {  	_ =	shalt  }
0x4c: {  	_ =	shalt  }
0x4d: {  	_ =	shalt  }
0x4e: {  	_ =	shalt  }
0x4f: {  	_ =	shalt  }
0x50: {  	_ =	shalt  }
0x51: {  	_ =	shalt  }
0x52: {  	_ =	shalt  }
0x53: {  	_ =	shalt  }
0x54: {  	_ =	shalt  }
0x55: {  	_ =	shalt  }
0x56: {  	_ =	shalt  }
0x57: {  	_ =	shalt  }
0x58: {  	_ =	shalt  }
0x59: {  	_ =	shalt  }
0x5a: {  	_ =	shalt  }
0x5b: {  	_ =	shalt  }
0x5c: {  	_ =	shalt  }
0x5d: {  	_ =	shalt  }
0x5e: {  	_ =	shalt  }
0x5f: {  	_ =	shalt  }
0x60: {  	_ =	shalt  }
0x61: {  	_ =	shalt  }
0x62: {  	_ =	shalt  }
0x63: {  	_ =	shalt  }
0x64: {  	_ =	shalt  }
0x65: {  	_ =	shalt  }
0x66: {  	_ =	shalt  }
0x67: {  	_ =	shalt  }
0x68: {  	_ =	shalt  }
0x69: {  	_ =	shalt  }
0x6a: {  	_ =	shalt  }
0x6b: {  	_ =	shalt  }
0x6c: {  	_ =	shalt  }
0x6d: {  	_ =	shalt  }
0x6e: {  	_ =	shalt  }
0x6f: {  	_ =	shalt  }
0x70: {  	_ =	shalt  }
0x71: {  	_ =	shalt  }
0x72: {  	_ =	shalt  }
0x73: {  	_ =	shalt  }
0x74: {  	_ =	shalt  }
0x75: {  	_ =	shalt  }
0x76: {  	_ =	shalt  }
0x77: {  	_ =	shalt  }
0x78: {  	_ =	shalt  }
0x79: {  	_ =	shalt  }
0x7a: {  	_ =	shalt  }
0x7b: {  	_ =	shalt  }
0x7c: {  	_ =	shalt  }
0x7d: {  	_ =	shalt  }
0x7e: {  	_ =	shalt  }
0x7f: {  	_ =	shalt  }
0x80: {  	_ =	shalt  }
0x81: {  	_ =	shalt  }
0x82: {  	_ =	shalt  }
0x83: {  	_ =	shalt  }
0x84: {  	_ =	shalt  }
0x85: {  	_ =	shalt  }
0x86: {  	_ =	shalt  }
0x87: {  	_ =	shalt  }
.Lfunc_end0:
.L_simem_size_0:
called_computation_lowered:
.L_overlay_start_0:
0x88: {  	s2 =	sld [smem:$0x3FD9]  }
0x89: {  	s3 =	sld [smem:$0x3FFE];
	_ =	sdelay $0x1  }
0x8a: {  	s1 =	srdreg.scid  }
0x8b: {  	s0 =	sand.u32 $0x1, s1  }
0x8c: {  	s17 =	sshll.u32 s0, $0xA;
	s2 =	sadd.s32 s3, s2  }
0x8d: {  	s2 =	sadd.s32 s2, s17  }
0x8e: {  	[smem:$0x3FC2] =	sst s2  }
0x8f: {  	_ = 	snop  }
0x90: {  	s2 =	sld [smem:$0x3FD0];
	(tm) =	ssettm $0x1  }
0x91: {  	s18 =	sld [smem:$0x3FFB];
	_ =	sdelay $0x3  }
0x92: {  	_ =	strace s18  }
0x93: {  	s3 =	sld [smem:$0x3FFC];
	_ =	sdelay $0x3  }
0x94: {  	_ =	strace s3  }
0x95: {  	s3 =	sld [smem:$0x3FFD];
	_ =	sdelay $0x3  }
0x96: {  	_ =	strace s3  }
0x97: {  	_ =	strace $0x8FFFFFFF  }
0x98: {  	s19 =	sld [smem:$0x3FDB];
	_ =	sdelay $0x1  }
0x99: {  	s4 =	simm.s32 $_scs_section_size  }
0x9a: {  	s5 =	simm.s32 $_size__tile_overlayer_lowered;
	s6 =	simm.s32 $_tile_overlayer_lowered  }
0x9b: {  	s22 =	simm.s32 $0x1BFF;
	s21 =	sshll.u32 s6, $0x1;
	s3 =	sadd.s32 s4, s19  }
0x9c: {  	s7 =	simm.s32 $0x0;
	s20 =	sshll.u32 s5, $0x1;
	s5 =	sadd.s32 s21, s3  }
0x9d: {  	[timem:s7], [sflag:s22] =	dma.local [hbm:s5], s20  }
0x9e: {  	_ =	swait.ge [sflag:s22], s20  }
0x9f: {  	s4 =	ssub.s32 $0x0, s20;
	[sflag:s22] =	ssyncset.done $0x0  }
0xa0: {  	[sflag:s22] =	ssyncadd.s32 s4;
	_ =	sdelay $0x1  }
0xa1: {  	s23 =	simm.s32 $0x1B8B  }
0xa2: {  	_ =	swait.ge [sflag:s23], $0x1  }
0xa3: {  	[sflag:s23] =	ssyncset.done $0x0  }
0xa4: {  	s25 =	simm.s32 $0x1B8E;
	s24 =	sld [smem:$0x3FFE];
	[sflag:s23] =	ssyncadd.s32 $0xFFFFFFFF  }
0xa5: {  	s26 =	simm.s32 $execute0_lowered;
	[smem:$0x3FD2] =	sst s25  }
0xa6: {  	s5 =	sshll.u32 s26, $0x1;
	_ =	strace $0x80000046;
	[dreg:$0x1] =	wrdreg $0xFFFFFFFF  }
0xa7: {  	s28 =	simm.s32 $_size_execute0_lowered;
	s3 =	sadd.s32 s3, s5;
	[dreg:$0x0] =	wrdreg $0x0  }
0xa8: {  	s5 =	sshll.u32 s28, $0x1;
	[dreg:$0x2] =	wrdreg s3  }
0xa9: {  	[dreg:$0x3] =	wrdreg s5  }
0xaa: {  	[dreg:$0x4] =	wrdreg $0xC0  }
0xab: {  	_ =	task [dreg:s7], $0x5FFFF  }
0xac: {  	[dreg:$0x1] =	wrdreg $0xFFFFFFFF  }
0xad: {  	[dreg:$0x0] =	wrdreg $0x60  }
0xae: {  	[dreg:$0x2] =	wrdreg s2  }
0xaf: {  	[dreg:$0x3] =	wrdreg s24  }
0xb0: {  	[dreg:$0x4] =	wrdreg $0x54000  }
0xb1: {  	[dreg:$0x5] =	wrdreg $0x9  }
0xb2: {  	_ =	task.clear_ibuf [dreg:s7], $0x6FFFF;
	_ =	strace $0x90000046  }
0xb3: {  	s29 =	simm.s32 $0x9;
	_ =	strace $0x80000048  }
0xb4: {  	_ =	swait.ge [sflag:s29], $0x1  }
0xb5: {  	[sflag:s29] =	ssyncadd.s32 $0xFFFFFFFF  }
0xb6: {  	_ =	strace $0x90000048  }
0xb7: {  	_ =	sfence  }
0xb8: {  	s30 =	sld [smem:$0x0];
	_ =	sdelay $0x2  }
0xb9: {  	s31 =	sshll.u32 s1, $0xD;
	s1 =	sshrl.u32 s1, $0x2  }
0xba: {  	s3 =	sand.u32 $0x4000, s31;
	s1 =	sadd.s32 s1, s30  }
0xbb: {  	s0 =	sor.u32 s3, s0;
	s1 =	sshll.u32 s1, $0x11  }
0xbc: {  	s0 =	sor.u32 s1, s0  }
0xbd: {  	s0 =	sadd.s32 $0x8F2B, s0  }
0xbe: {  	[sflag:s0] =	ssyncadd.remote.s32 $0x1  }
0xbf: {  	_ =	sfence.sel $0xFFFF  }
0xc0: {  	[dreg:$0x0] =	wrdreg $0xFFFFFFFF;
	(pc) =	sbr.abs _section_cstart, $3  }
0xc1: {  	[dreg:$0x1] =	wrdreg $0xFFFFFFFF  }
0xc2: {  	_ =	task.clear_ibuf [dreg:s7], $0x2FFFF;
	_ =	strace $0x9FFFFFFF  }
0xc3: {  	(tm) =	ssettm $0x7FFFFFFF  }
tec
execute0_lowered:
.L_overlay_start_1:
0x0: {  	(tag) =	ssettag $0x1  }
0x1: {  	s6 =	rddreg [dreg:$0x0]  }
0x2: {  	s5 =	rddreg [dreg:$0x1]  }
0x3: {  	s2 =	rddreg [dreg:$0x2]  }
0x4: {  	s0 =	rddreg [dreg:$0x3];
	s3 =	simm.s32 $0x0  }
0x5: {  	s1 =	stileid.u32;
	s4 =	srdreg.scid;
	s15 =	simm.s32 $0x0  }
0x6: {  	[smem:$0x7FF] =	sst s3;
	s7 =	smul.u32 $0x2800, s1;
	s8 =	sand.u32 $0x1, s4  }
0x7: {  	s11 =	sshll.u32 s1, $0x1;
	s4 =	sadd.s32 $0x1E00, s5;
	s12 =	smul.u32 $0x50000, s1  }
0x8: {  	s31 =	sshll.u32 s1, $0x6;
	_ =	strace $0x80000047;
	s10 =	sshll.u32 s8, $0x5  }
0x9: {  	s9 =	smul.u32 $0x28000, s8;
	s8 =	ssub.s32 $0x2, s8;
	s10 =	sor.u32 s11, s10  }
0xa: {  	s29 =	sshrl.u32 s8, $0x1;
	s12 =	sshrl.u32 s12, $0x2;
	s11 =	smul.u32 $0x1400, s10  }
0xb: {  	s9 =	sadd.s32 s7, s9;
	s7 =	sadd.s32 s7, s5;
	s10 =	smul.u32 $0x280, s10  }
0xc: {  	s13 =	ssub.s32 s8, s29;
	s14 =	sadd.s32 s12, s2;
	s12 =	sor.u32 $0x1C01, s31  }
0xd: {  	s9 =	sadd.s32 s9, s5;
	s5 =	sadd.s32 $0x2600, s7;
	s11 =	sshrl.u32 s11, $0x3  }
0xe: {  	s8 =	sadd.s32 $0x2A600, s9;
	s9 =	smax.u32 s13, $0x1;
	s13 =	sshrl.u32 s14, $0x3  }
0xf: {  	s14 =	simm.s32 $0x80;
	s30 =	sadd.s32 s6, s11;
	s6 =	sadd.s32 s6, s10  }
0x10: {  	s10 =	simm.s32 $0x1400;
	s11 =	simm.s32 $0x1;
	s7 =	sadd.s32 $0x280, s30  }
.LBB2_1:
0x11: {  	[tilespmem:s10], [sflag:$0x1] =	stream.linear.gather [hbm4b:s4+s3], $0x4000, $0x38;
	[tilespmem:$0x19400] =	vst v63  }
0x12: {  	_ =	swait.ge [sflag:s11], $0x4000  }
0x13: {  	[sflag:s11] =	ssyncset.done $0x0  }
0x14: {  	[sflag:s11] =	ssyncadd.s32 $0xFFFFC000  }
0x15: {  	[spmem:s13], [sflag:s12] =	dma.local [hbm:s5], $0x2800  }
0x16: {  	_ =	swait.ge [sflag:s11], $0x2800  }
0x17: {  	[sflag:s11] =	ssyncset.done $0x0  }
0x18: {  	[sflag:s11] =	ssyncadd.s32 $0xFFFFD800  }
0x19: {  	[bflag:$0x0] =	sbarrier.arrive $0xFFFF  }
0x1a: {  	[tilespmem:s3], [sflag:$0x1] =	stream.linear.gather [hbm4b:s6+s3], $0x1400, $0x38;
	[tilespmem:$0x19400] =	vst v63  }
0x1b: {  	_ =	swait.ge [sflag:s11], $0x1400  }
0x1c: {  	[sflag:s11] =	ssyncset.done $0x0  }
0x1d: {  	s16 =	simm.s32 $0x0;
	[sflag:s11] =	ssyncadd.s32 $0xFFFFEC00  }
0x1e: {  	[spmem:s2] =	stream.indirect.scatter.add.f32 [tilespmem:s10], [sflag:$0x1], $0x80, s16, s14, $0xb8;
	[tilespmem:$0x19400] =	vst v63  }
0x1f: {  	_ =	swait.ge [sflag:s11], $0x4000  }
0x20: {  	s16 =	simm.s32 $0x200;
	[sflag:s11] =	ssyncset.done $0x0  }
.LBB2_2:
0x21: {  	s17 =	sshra.s32 s16, $0x2;
	[sflag:s11] =	ssyncadd.s32 $0xFFFFC000;
	p0 =	sne.s32 s16, $0x4E00  }
0x22: {  	[spmem:s2] =	stream.indirect.scatter.add.f32 [tilespmem:s10], [sflag:$0x1], $0x80, s17, s14, $0xb8;
	[tilespmem:$0x19400] =	vst v63  }
.Ltmp0:
0x23: {  	_ = 	snop;
	(pc) =	sbr.rel @p0 .LBB2_2-.Ltmp0, $4  }
0x24: {  	_ = 	snop  }
0x25: {  	s16 =	sadd.s32 $0x200, s16  }
0x26: {  	_ =	swait.ge [sflag:s11], $0x4000  }
0x27: {  	[sflag:s11] =	ssyncset.done $0x0  }
0x28: {  	[sflag:s11] =	ssyncadd.s32 $0xFFFFC000;
	s16 =	simm.s32 $0x0  }
0x29: {  	[tilespmem:s16], [sflag:$0x1] =	stream.linear.gather [hbm4b:s7+s16], $0x1400, $0x38;
	[tilespmem:$0x19400] =	vst v63  }
0x2a: {  	_ =	swait.ge [sflag:s11], $0x1400  }
0x2b: {  	[sflag:s11] =	ssyncset.done $0x0  }
0x2c: {  	s31 =	simm.s32 $0x0;
	[sflag:s11] =	ssyncadd.s32 $0xFFFFEC00  }
0x2d: {  	[spmem:s2] =	stream.indirect.scatter.add.f32 [tilespmem:s10], [sflag:$0x1], $0x80, s31, s14, $0xb8;
	[tilespmem:$0x19400] =	vst v63  }
0x2e: {  	_ =	swait.ge [sflag:s11], $0x4000  }
0x2f: {  	s16 =	simm.s32 $0x200;
	[sflag:s11] =	ssyncset.done $0x0  }
.LBB2_4:
0x30: {  	s17 =	sshra.s32 s16, $0x2;
	[sflag:s11] =	ssyncadd.s32 $0xFFFFC000;
	p0 =	sne.s32 s16, $0x4E00  }
0x31: {  	[spmem:s2] =	stream.indirect.scatter.add.f32 [tilespmem:s10], [sflag:$0x1], $0x80, s17, s14, $0xb8;
	[tilespmem:$0x19400] =	vst v63  }
.Ltmp1:
0x32: {  	_ = 	snop;
	(pc) =	sbr.rel @p0 .LBB2_4-.Ltmp1, $4  }
0x33: {  	_ = 	snop  }
0x34: {  	s16 =	sadd.s32 $0x200, s16  }
0x35: {  	_ =	swait.ge [sflag:s11], $0x4000  }
0x36: {  	[sflag:s11] =	ssyncset.done $0x0  }
0x37: {  	s15 =	sadd.s32 $0x1, s15  }
0x38: {  	[sflag:s11] =	ssyncadd.s32 $0xFFFFC000;
	p0 =	sne.s32 s15, s9  }
.Ltmp2:
0x39: {  	[bflag:$0x0] =	sbarrier.arrive $0xFFFF;
	(pc) =	sbr.rel @p0 .LBB2_1-.Ltmp2, $4  }
0x3a: {  	[hbm:s8], [sflag:s12] =	dma.local [spmem:s13], $0x2800  }
0x3b: {  	_ =	swait.ge [sflag:s11], $0x2800  }
0x3c: {  	[sflag:s11] =	ssyncset.done $0x0  }
0x3d: {  	[sflag:s11] =	ssyncadd.s32 $0xFFFFD800  }
0x3e: {  	_ =	sfence.sel $0x180000  }
0x3f: {  	[bflag:$0x0] =	sbarrier.arrive $0xFFFF  }
0x40: {  	p0 =	sne.s32 s1, $0x0;
	_ =	strace $0x90000047  }
0x41: {  	s0 =	sadd.s32 @!p0 $0x100000, s0;
	[bflag:$0x2] =	sbarrier.arrive $0xFFFF  }
0x42: {  	[sflag:s0] =	ssyncadd.tile.s32 @!p0 $0x1;
	_ =	shalt  }
.Lfunc_end2:
_tile_overlayer_lowered:
.L_overlay_start_2:
0x43: {  	(tag) =	ssettag $0x2  }
0x44: {  	s0 =	rddreg [dreg:$0x0];
	s2 =	stileid.u32  }
0x45: {  	s1 =	rddreg [dreg:$0x1];
	p0 =	sne.s32 s2, $0x0  }
0x46: {  	s3 =	rddreg [dreg:$0x2];
	[bflag:$0x3] =	sbarrier.arrive $0xFFFF;
	s2 =	simm.s32 @!p0 $0x1C01  }
0x47: {  	[timem:s3], [sflag:s2] =	dma.local @!p0 [hbm:s0], s1  }
0x48: {  	s0 =	simm.s32 @!p0 $0x1  }
0x49: {  	_ =	swait.ge @!p0 [sflag:s0], s1  }
0x4a: {  	s1 =	ssub.s32 @!p0 $0x0, s1;
	[sflag:s0] =	ssyncset.done @!p0 $0x0  }
0x4b: {  	[sflag:s0] =	ssyncadd.s32 @!p0 s1  }
0x4c: {  	[bflag:$0x3] =	sbarrier.arrive $0xFFFF  }
0x4d: {  	_ =	shalt  }

</sc_bundles>
